<compile_context>
chip_gen: v7x
topology: tpu7x:2x2x1
jax: 0.10.2.dev20260603
libtpu: 0.0.44.dev20260713+nightly
codegen_flags: <defaults>
</compile_context>

<pallas_src>
import functools

import jax
import jax.numpy as jnp
from jax import lax
from jax.experimental import pallas as pl
from jax.experimental.pallas import tpu as pltpu
from jax.experimental.pallas import tpu_sc as plsc

NUM_CODES = 1024
DIM = 32
BETA_C = 0.25
ROWS = 4096
BLK = 2048
GRID = ROWS // BLK

try:
    _info = plsc.get_sparse_core_info()
    _NC, _NS = _info.num_cores, _info.num_subcores
except ValueError:
    _NC, _NS = 2, 16
_NW = _NC * _NS
_BPW = ROWS // _NW
_L = 16

_HI = jax.lax.Precision.HIGHEST


def _topk_body(x_ref, w_ref, pk_ref):
    x = x_ref[...]
    wt = w_ref[...].T

    wsq = jnp.sum(wt * wt, axis=0, keepdims=True)
    x_hi = x.astype(jnp.bfloat16)
    x_lo = (x - x_hi.astype(jnp.float32)).astype(jnp.bfloat16)
    w_hi = wt.astype(jnp.bfloat16)
    w_lo = (wt - w_hi.astype(jnp.float32)).astype(jnp.bfloat16)

    def mm(a, bb):
        return jnp.dot(a, bb, preferred_element_type=jnp.float32)

    s = mm(x_hi, w_hi) + (mm(x_hi, w_lo) + mm(x_lo, w_hi))
    d2p = wsq - 2.0 * s
    ks = jax.lax.broadcasted_iota(jnp.int32, d2p.shape, 1)

    m1 = jnp.min(d2p, axis=1, keepdims=True)
    idx1 = jnp.min(jnp.where(d2p == m1, ks, NUM_CODES), axis=1, keepdims=True)
    masked = jnp.where(ks == idx1, jnp.inf, d2p)
    m2 = jnp.min(masked, axis=1, keepdims=True)
    idx2 = jnp.min(jnp.where(masked == m2, ks, NUM_CODES), axis=1,
                   keepdims=True)

    pk_ref[0, 0, :] = (idx1 + (idx2 << 10))[:, 0]


_topk = pl.pallas_call(
    _topk_body,
    grid=(GRID,),
    in_specs=[
        pl.BlockSpec((BLK, DIM), lambda i: (i, 0)),
        pl.BlockSpec((NUM_CODES, DIM), lambda i: (0, 0)),
    ],
    out_specs=pl.BlockSpec((1, 1, BLK), lambda i: (i, 0, 0)),
    out_shape=jax.ShapeDtypeStruct((GRID, 1, BLK), jnp.int32),
)


@functools.cache
def _sc_rescore():
    @functools.partial(
        pl.kernel,
        mesh=plsc.VectorSubcoreMesh(core_axis_name="c", subcore_axis_name="s"),
        out_type=(
            jax.ShapeDtypeStruct((ROWS, DIM), jnp.float32),
            jax.ShapeDtypeStruct((_NW, _L), jnp.float32),
        ),
        scratch_types=[
            pltpu.VMEM((_BPW,), jnp.int32),
            pltpu.VMEM((_BPW,), jnp.int32),
            pltpu.VMEM((_BPW,), jnp.int32),
            pltpu.VMEM((_BPW, DIM), jnp.float32),
            pltpu.VMEM((_BPW, DIM), jnp.float32),
            pltpu.VMEM((_BPW, DIM), jnp.float32),
            pltpu.VMEM((_BPW, DIM), jnp.float32),
            pltpu.VMEM((_L,), jnp.float32),
            pltpu.SemaphoreType.DMA,
        ],
        compiler_params=pltpu.CompilerParams(use_tc_tiling_on_sc=False,
                                             needs_layout_passes=False),
    )
    def rescore(w_hbm, x_hbm, pk_hbm, q_hbm, l_hbm,
                pk_v, i1_v, i2_v, x_v, w1_v, w2_v, q_v, lv_v, sem):
        wid = lax.axis_index("s") * _NC + lax.axis_index("c")
        base = wid * _BPW
        cp = pltpu.async_copy(pk_hbm.at[pl.ds(base, _BPW)], pk_v, sem)
        cx = pltpu.async_copy(x_hbm.at[pl.ds(base, _BPW)], x_v, sem)
        cp.wait()
        cx.wait()

        lane = lax.iota(jnp.int32, _L)

        def unpack(g, c):
            pc = pk_v[pl.ds(g * _L, _L)]
            i1_v[pl.ds(g * _L, _L)] = pc & (NUM_CODES - 1)
            i2_v[pl.ds(g * _L, _L)] = pc >> 10
            return c

        lax.fori_loop(0, _BPW // _L, unpack, 0)

        pltpu.async_copy(w_hbm.at[i1_v], w1_v, sem).wait()
        pltpu.async_copy(w_hbm.at[i2_v], w2_v, sem).wait()

        lv_v[...] = jnp.zeros((_L,), jnp.float32)

        def body(g, c):
            rows = g * _L + lane
            e1 = jnp.zeros((_L,), jnp.float32)
            e2 = jnp.zeros((_L,), jnp.float32)
            for d in range(DIM):
                col = jnp.full((_L,), d, jnp.int32)
                xc = plsc.load_gather(x_v, [rows, col])
                a = xc - plsc.load_gather(w1_v, [rows, col])
                b = xc - plsc.load_gather(w2_v, [rows, col])
                e1 = e1 + a * a
                e2 = e2 + b * b
            i1 = i1_v[pl.ds(g * _L, _L)]
            i2 = i2_v[pl.ds(g * _L, _L)]
            t2 = (e2 < e1) | ((e2 == e1) & (i2 < i1))
            i1_v[pl.ds(g * _L, _L)] = jnp.where(t2, i2, i1)
            lv_v[...] += jnp.where(t2, e2, e1)
            return c

        lax.fori_loop(0, _BPW // _L, body, 0)

        pltpu.async_copy(w_hbm.at[i1_v], q_v, sem).wait()
        pltpu.sync_copy(q_v, q_hbm.at[pl.ds(base, _BPW)])

        tot = jnp.sum(lv_v[...])
        lv_v[...] = jnp.where(lane == 0, tot, 0.0)
        pltpu.sync_copy(lv_v, l_hbm.at[wid])

    return rescore


def kernel(x, W):
    b, hw, d = x.shape
    xf = x.reshape(b * hw, d)
    pk = _topk(xf, W).reshape(ROWS)
    quant, lparts = _sc_rescore()(W, xf, pk)
    sgquant = quant.reshape(b, hw, d)
    vqloss = jnp.sum(lparts[:, 0]) * ((1.0 + BETA_C) / (ROWS * DIM))
    return (sgquant, vqloss)

# --- scband reference (transcript-rebuilt; emitter-appended) ---
"""Pipeline reference for scband-vqvaeblock-32564442038320 (READ-ONLY COPY).

The authoritative reference and input builder live on the scoring server;
editing this copy changes nothing except your own understanding.
"""

import jax, jax.numpy as jnp
import numpy as np

NUM_EMBEDDINGS = 1024
EMBEDDING_DIM = 32
BETA = 0.25


def setup_inputs(seed: int = 0) -> dict:
    key = jax.random.key(seed)
    kx, kw = jax.random.split(key)
    x = jax.random.normal(kx, (4, 1024, EMBEDDING_DIM), dtype=jnp.float32)
    # nn.Embedding default init: N(0, 1)
    W = jax.random.normal(kw, (NUM_EMBEDDINGS, EMBEDDING_DIM), dtype=jnp.float32)
    return {"x": x, "W": W}


def reference(x, W):
    # offsets: [B, HW, K, D]
    offsets = x[:, :, None, :] - W[None, None, :, :]
    d2 = jnp.sum(offsets ** 2, axis=3)  # [B, HW, K]
    indices = jnp.argmin(d2, axis=2)  # [B, HW]
    quant = jnp.take(W, indices, axis=0)  # [B, HW, D]
    vqloss = jnp.mean((quant - jax.lax.stop_gradient(x)) ** 2) \
             + BETA * jnp.mean((x - jax.lax.stop_gradient(quant)) ** 2)
    sgquant = jax.lax.stop_gradient(quant) + x - jax.lax.stop_gradient(x)
    return (sgquant, vqloss)

if __name__ == "__main__":
    import jax
    _d = setup_inputs()
    print(jax.jit(kernel)(*tuple(_d.values())))

</pallas_src>

<mosaic_0001>
#map = affine_map<(d0, d1) -> (0, 0)>
#map1 = affine_map<(d0, d1) -> (0)>
module attributes {stable_mosaic.version = 14 : i64} {
  func.func @rescore(%arg0: i32, %arg1: i32, %arg2: memref<1024x32xf32, #tpu.memory_space<hbm>>, %arg3: memref<4096x32xf32, #tpu.memory_space<hbm>>, %arg4: memref<4096xi32, #tpu.memory_space<hbm>>, %arg5: memref<4096x32xf32, #tpu.memory_space<hbm>>, %arg6: memref<32x16xf32, #tpu.memory_space<hbm>>, %arg7: memref<128xi32, #tpu.memory_space<vmem>>, %arg8: memref<128xi32, #tpu.memory_space<vmem>>, %arg9: memref<128xi32, #tpu.memory_space<vmem>>, %arg10: memref<128x32xf32, #tpu.memory_space<vmem>>, %arg11: memref<128x32xf32, #tpu.memory_space<vmem>>, %arg12: memref<128x32xf32, #tpu.memory_space<vmem>>, %arg13: memref<128x32xf32, #tpu.memory_space<vmem>>, %arg14: memref<16xf32, #tpu.memory_space<vmem>>, %arg15: memref<!tpu.dma_semaphore, #tpu.memory_space<semaphore_mem>>) attributes {dimension_semantics = [#tpu.dimension_semantics<core_parallel>, #tpu.dimension_semantics<subcore_parallel>], iteration_bounds = array<i64: 2, 16>, scalar_prefetch = 0 : i64, scratch_operands = 9 : i64, tpu.core_type = #tpu.core_type<sc_vector_subcore>, window_params = [{transform_indices = #map}, {transform_indices = #map}, {transform_indices = #map1}, {transform_indices = #map}, {transform_indices = #map}]} {
    %mul3A = arith.constant 2 : i32
    %mul3A_0 = arith.muli %arg1, %mul3A : i32
    %add3A = arith.addi %mul3A_0, %arg0 : i32
    %mul3A_1 = arith.constant 128 : i32
    %mul3A_2 = arith.muli %add3A, %mul3A_1 : i32
    %dma_start3A = tpu.memref_slice %arg4[%mul3A_2] : memref<4096xi32, #tpu.memory_space<hbm>> -> memref<128xi32, #tpu.memory_space<hbm>>
    %dma_start3A_3 = tpu.memref_slice %arg4[%mul3A_2] : memref<4096xi32, #tpu.memory_space<hbm>> -> memref<128xi32, #tpu.memory_space<hbm>>
    tpu.enqueue_dma source(%dma_start3A_3 : memref<128xi32, #tpu.memory_space<hbm>>) target(%arg7 : memref<128xi32, #tpu.memory_space<vmem>>) target_semaphore(%arg15 : memref<!tpu.dma_semaphore, #tpu.memory_space<semaphore_mem>>)
    %dma_start3A_4 = arith.constant 0 : i32
    %dma_start3A_5 = tpu.memref_slice %arg3[%mul3A_2, %dma_start3A_4] : memref<4096x32xf32, #tpu.memory_space<hbm>> -> memref<128x32xf32, #tpu.memory_space<hbm>>
    %dma_start3A_6 = arith.constant 0 : i32
    %dma_start3A_7 = tpu.memref_slice %arg3[%mul3A_2, %dma_start3A_6] : memref<4096x32xf32, #tpu.memory_space<hbm>> -> memref<128x32xf32, #tpu.memory_space<hbm>>
    tpu.enqueue_dma source(%dma_start3A_7 : memref<128x32xf32, #tpu.memory_space<hbm>>) target(%arg10 : memref<128x32xf32, #tpu.memory_space<vmem>>) target_semaphore(%arg15 : memref<!tpu.dma_semaphore, #tpu.memory_space<semaphore_mem>>)
    %dma_wait3A = tpu.memref_slice %arg4[%mul3A_2] : memref<4096xi32, #tpu.memory_space<hbm>> -> memref<128xi32, #tpu.memory_space<hbm>>
    %dma_wait3A_8 = tpu.memref_slice %arg4[%mul3A_2] : memref<4096xi32, #tpu.memory_space<hbm>> -> memref<128xi32, #tpu.memory_space<hbm>>
    tpu.wait_dma2 semaphore(%arg15 : memref<!tpu.dma_semaphore, #tpu.memory_space<semaphore_mem>>) src(%dma_wait3A_8 : memref<128xi32, #tpu.memory_space<hbm>>) dst(%arg7 : memref<128xi32, #tpu.memory_space<vmem>>)
    %dma_wait3A_9 = arith.constant 0 : i32
    %dma_wait3A_10 = tpu.memref_slice %arg3[%mul3A_2, %dma_wait3A_9] : memref<4096x32xf32, #tpu.memory_space<hbm>> -> memref<128x32xf32, #tpu.memory_space<hbm>>
    %dma_wait3A_11 = arith.constant 0 : i32
    %dma_wait3A_12 = tpu.memref_slice %arg3[%mul3A_2, %dma_wait3A_11] : memref<4096x32xf32, #tpu.memory_space<hbm>> -> memref<128x32xf32, #tpu.memory_space<hbm>>
    tpu.wait_dma2 semaphore(%arg15 : memref<!tpu.dma_semaphore, #tpu.memory_space<semaphore_mem>>) src(%dma_wait3A_12 : memref<128x32xf32, #tpu.memory_space<hbm>>) dst(%arg10 : memref<128x32xf32, #tpu.memory_space<vmem>>)
    %iota3A = tpu.iota {dimensions = array<i32: 0>} : vector<16xi32>
    %scan3A = arith.constant 0 : i32
    %scan3A_13 = arith.constant 0 : i32
    %scan3A_14 = arith.constant 8 : i32
    %scan3A_15 = arith.addi %scan3A_13, %scan3A_14 : i32
    %scan3A_16 = arith.constant 1 : i32
    scf.for %scan3A_54 = %scan3A_13 to %scan3A_15 step %scan3A_16  : i32 {
      %mul3A_55 = arith.constant 16 : i32
      %mul3A_56 = arith.muli %scan3A_54, %mul3A_55 : i32
      %get3A_57 = arith.index_cast %mul3A_56 : i32 to index
      %get3A_58 = tpu.vector_load %arg7[%get3A_57] {strides = array<i32>} : memref<128xi32, #tpu.memory_space<vmem>>, vector<16xi32>,
      %and3A = arith.constant 1023 : i32
      %and3A_59 = vector.broadcast %and3A : i32 to vector<16xi32>
      %and3A_60 = arith.andi %get3A_58, %and3A_59 : vector<16xi32>
      %mul3A_61 = arith.constant 16 : i32
      %mul3A_62 = arith.muli %scan3A_54, %mul3A_61 : i32
      %swap3A_63 = arith.index_cast %mul3A_62 : i32 to index
      %swap3A_64 = tpu.vector_load %arg8[%swap3A_63] {strides = array<i32>} : memref<128xi32, #tpu.memory_space<vmem>>, vector<16xi32>,
      tpu.vector_store %arg8[%swap3A_63], %and3A_60 {strides = array<i32>} : memref<128xi32, #tpu.memory_space<vmem>>, vector<16xi32>,
      %shift_right_arithmetic3A = arith.constant 10 : i32
      %shift_right_arithmetic3A_65 = vector.broadcast %shift_right_arithmetic3A : i32 to vector<16xi32>
      %shift_right_arithmetic3A_66 = arith.shrsi %get3A_58, %shift_right_arithmetic3A_65 : vector<16xi32>
      %mul3A_67 = arith.constant 16 : i32
      %mul3A_68 = arith.muli %scan3A_54, %mul3A_67 : i32
      %swap3A_69 = arith.index_cast %mul3A_68 : i32 to index
      %swap3A_70 = tpu.vector_load %arg9[%swap3A_69] {strides = array<i32>} : memref<128xi32, #tpu.memory_space<vmem>>, vector<16xi32>,
      tpu.vector_store %arg9[%swap3A_69], %shift_right_arithmetic3A_66 {strides = array<i32>} : memref<128xi32, #tpu.memory_space<vmem>>, vector<16xi32>,
    }
    %scan3A_17 = arith.constant 8 : i32
    %dma_start3A_18 = arith.constant 0 : i32
    %dma_start3A_19 = arith.constant 0 : i32
    %dma_start3A_20 = tpu.memref_slice %arg2[%dma_start3A_18, %dma_start3A_19] : memref<1024x32xf32, #tpu.memory_space<hbm>> -> memref<1024x32xf32, #tpu.memory_space<hbm>>
    tpu.enqueue_indirect_dma source(%dma_start3A_20 : memref<1024x32xf32, #tpu.memory_space<hbm>>) target(%arg11 : memref<128x32xf32, #tpu.memory_space<vmem>>) offsets(%arg8 : memref<128xi32, #tpu.memory_space<vmem>>) semaphore(%arg15 : memref<!tpu.dma_semaphore, #tpu.memory_space<semaphore_mem>>)
    %dma_wait3A_21 = arith.constant 0 : i32
    %dma_wait3A_22 = arith.constant 0 : i32
    %dma_wait3A_23 = tpu.memref_slice %arg2[%dma_wait3A_21, %dma_wait3A_22] : memref<1024x32xf32, #tpu.memory_space<hbm>> -> memref<1024x32xf32, #tpu.memory_space<hbm>>
    tpu.wait_indirect_dma semaphore(%arg15 : memref<!tpu.dma_semaphore, #tpu.memory_space<semaphore_mem>>) src(%dma_wait3A_23 : memref<1024x32xf32, #tpu.memory_space<hbm>>) dst(%arg11 : memref<128x32xf32, #tpu.memory_space<vmem>>)
    %dma_start3A_24 = arith.constant 0 : i32
    %dma_start3A_25 = arith.constant 0 : i32
    %dma_start3A_26 = tpu.memref_slice %arg2[%dma_start3A_24, %dma_start3A_25] : memref<1024x32xf32, #tpu.memory_space<hbm>> -> memref<1024x32xf32, #tpu.memory_space<hbm>>
    tpu.enqueue_indirect_dma source(%dma_start3A_26 : memref<1024x32xf32, #tpu.memory_space<hbm>>) target(%arg12 : memref<128x32xf32, #tpu.memory_space<vmem>>) offsets(%arg9 : memref<128xi32, #tpu.memory_space<vmem>>) semaphore(%arg15 : memref<!tpu.dma_semaphore, #tpu.memory_space<semaphore_mem>>)
    %dma_wait3A_27 = arith.constant 0 : i32
    %dma_wait3A_28 = arith.constant 0 : i32
    %dma_wait3A_29 = tpu.memref_slice %arg2[%dma_wait3A_27, %dma_wait3A_28] : memref<1024x32xf32, #tpu.memory_space<hbm>> -> memref<1024x32xf32, #tpu.memory_space<hbm>>
    tpu.wait_indirect_dma semaphore(%arg15 : memref<!tpu.dma_semaphore, #tpu.memory_space<semaphore_mem>>) src(%dma_wait3A_29 : memref<1024x32xf32, #tpu.memory_space<hbm>>) dst(%arg12 : memref<128x32xf32, #tpu.memory_space<vmem>>)
    %broadcast_in_dim3A = arith.constant 0.000000e+00 : f32
    %broadcast_in_dim3A_30 = vector.broadcast %broadcast_in_dim3A : f32 to vector<16xf32>
    %swap3A = arith.constant 0 : index
    %swap3A_31 = tpu.vector_load %arg14[%swap3A] {strides = array<i32>} : memref<16xf32, #tpu.memory_space<vmem>>, vector<16xf32>,
    tpu.vector_store %arg14[%swap3A], %broadcast_in_dim3A_30 {strides = array<i32>} : memref<16xf32, #tpu.memory_space<vmem>>, vector<16xf32>,
    %scan3A_32 = arith.constant 0 : i32
    %scan3A_33 = arith.constant 0 : i32
    %scan3A_34 = arith.constant 8 : i32
    %scan3A_35 = arith.addi %scan3A_33, %scan3A_34 : i32
    %scan3A_36 = arith.constant 1 : i32
    scf.for %scan3A_54 = %scan3A_33 to %scan3A_35 step %scan3A_36  : i32 {
      %mul3A_55 = arith.constant 16 : i32
      %mul3A_56 = arith.muli %scan3A_54, %mul3A_55 : i32
      %add3A_57 = vector.broadcast %mul3A_56 : i32 to vector<16xi32>
      %add3A_58 = arith.addi %add3A_57, %iota3A : vector<16xi32>
      %broadcast_in_dim3A_59 = arith.constant 0.000000e+00 : f32
      %broadcast_in_dim3A_60 = vector.broadcast %broadcast_in_dim3A_59 : f32 to vector<16xf32>
      %broadcast_in_dim3A_61 = arith.constant 0.000000e+00 : f32
      %broadcast_in_dim3A_62 = vector.broadcast %broadcast_in_dim3A_61 : f32 to vector<16xf32>
      %broadcast_in_dim3A_63 = arith.constant 0 : i32
      %broadcast_in_dim3A_64 = vector.broadcast %broadcast_in_dim3A_63 : i32 to vector<16xi32>
      %gather3A = tpu.vector_load_idx %arg10[%add3A_58, %broadcast_in_dim3A_64] : memref<128x32xf32, #tpu.memory_space<vmem>>[vector<16xi32>, vector<16xi32>], vector<16xf32>,
      %gather3A_65 = tpu.vector_load_idx %arg11[%add3A_58, %broadcast_in_dim3A_64] : memref<128x32xf32, #tpu.memory_space<vmem>>[vector<16xi32>, vector<16xi32>], vector<16xf32>,
      %sub3A = arith.subf %gather3A, %gather3A_65 : vector<16xf32>
      %gather3A_66 = tpu.vector_load_idx %arg12[%add3A_58, %broadcast_in_dim3A_64] : memref<128x32xf32, #tpu.memory_space<vmem>>[vector<16xi32>, vector<16xi32>], vector<16xf32>,
      %sub3A_67 = arith.subf %gather3A, %gather3A_66 : vector<16xf32>
      %mul3A_68 = arith.mulf %sub3A, %sub3A : vector<16xf32>
      %add3A_69 = arith.addf %broadcast_in_dim3A_60, %mul3A_68 : vector<16xf32>
      %mul3A_70 = arith.mulf %sub3A_67, %sub3A_67 : vector<16xf32>
      %add3A_71 = arith.addf %broadcast_in_dim3A_62, %mul3A_70 : vector<16xf32>
      %broadcast_in_dim3A_72 = arith.constant 1 : i32
      %broadcast_in_dim3A_73 = vector.broadcast %broadcast_in_dim3A_72 : i32 to vector<16xi32>
      %gather3A_74 = tpu.vector_load_idx %arg10[%add3A_58, %broadcast_in_dim3A_73] : memref<128x32xf32, #tpu.memory_space<vmem>>[vector<16xi32>, vector<16xi32>], vector<16xf32>,
      %gather3A_75 = tpu.vector_load_idx %arg11[%add3A_58, %broadcast_in_dim3A_73] : memref<128x32xf32, #tpu.memory_space<vmem>>[vector<16xi32>, vector<16xi32>], vector<16xf32>,
      %sub3A_76 = arith.subf %gather3A_74, %gather3A_75 : vector<16xf32>
      %gather3A_77 = tpu.vector_load_idx %arg12[%add3A_58, %broadcast_in_dim3A_73] : memref<128x32xf32, #tpu.memory_space<vmem>>[vector<16xi32>, vector<16xi32>], vector<16xf32>,
      %sub3A_78 = arith.subf %gather3A_74, %gather3A_77 : vector<16xf32>
      %mul3A_79 = arith.mulf %sub3A_76, %sub3A_76 : vector<16xf32>
      %add3A_80 = arith.addf %add3A_69, %mul3A_79 : vector<16xf32>
      %mul3A_81 = arith.mulf %sub3A_78, %sub3A_78 : vector<16xf32>
      %add3A_82 = arith.addf %add3A_71, %mul3A_81 : vector<16xf32>
      %broadcast_in_dim3A_83 = arith.constant 2 : i32
      %broadcast_in_dim3A_84 = vector.broadcast %broadcast_in_dim3A_83 : i32 to vector<16xi32>
      %gather3A_85 = tpu.vector_load_idx %arg10[%add3A_58, %broadcast_in_dim3A_84] : memref<128x32xf32, #tpu.memory_space<vmem>>[vector<16xi32>, vector<16xi32>], vector<16xf32>,
      %gather3A_86 = tpu.vector_load_idx %arg11[%add3A_58, %broadcast_in_dim3A_84] : memref<128x32xf32, #tpu.memory_space<vmem>>[vector<16xi32>, vector<16xi32>], vector<16xf32>,
      %sub3A_87 = arith.subf %gather3A_85, %gather3A_86 : vector<16xf32>
      %gather3A_88 = tpu.vector_load_idx %arg12[%add3A_58, %broadcast_in_dim3A_84] : memref<128x32xf32, #tpu.memory_space<vmem>>[vector<16xi32>, vector<16xi32>], vector<16xf32>,
      %sub3A_89 = arith.subf %gather3A_85, %gather3A_88 : vector<16xf32>
      %mul3A_90 = arith.mulf %sub3A_87, %sub3A_87 : vector<16xf32>
      %add3A_91 = arith.addf %add3A_80, %mul3A_90 : vector<16xf32>
      %mul3A_92 = arith.mulf %sub3A_89, %sub3A_89 : vector<16xf32>
      %add3A_93 = arith.addf %add3A_82, %mul3A_92 : vector<16xf32>
      %broadcast_in_dim3A_94 = arith.constant 3 : i32
      %broadcast_in_dim3A_95 = vector.broadcast %broadcast_in_dim3A_94 : i32 to vector<16xi32>
      %gather3A_96 = tpu.vector_load_idx %arg10[%add3A_58, %broadcast_in_dim3A_95] : memref<128x32xf32, #tpu.memory_space<vmem>>[vector<16xi32>, vector<16xi32>], vector<16xf32>,
      %gather3A_97 = tpu.vector_load_idx %arg11[%add3A_58, %broadcast_in_dim3A_95] : memref<128x32xf32, #tpu.memory_space<vmem>>[vector<16xi32>, vector<16xi32>], vector<16xf32>,
      %sub3A_98 = arith.subf %gather3A_96, %gather3A_97 : vector<16xf32>
      %gather3A_99 = tpu.vector_load_idx %arg12[%add3A_58, %broadcast_in_dim3A_95] : memref<128x32xf32, #tpu.memory_space<vmem>>[vector<16xi32>, vector<16xi32>], vector<16xf32>,
      %sub3A_100 = arith.subf %gather3A_96, %gather3A_99 : vector<16xf32>
      %mul3A_101 = arith.mulf %sub3A_98, %sub3A_98 : vector<16xf32>
      %add3A_102 = arith.addf %add3A_91, %mul3A_101 : vector<16xf32>
      %mul3A_103 = arith.mulf %sub3A_100, %sub3A_100 : vector<16xf32>
      %add3A_104 = arith.addf %add3A_93, %mul3A_103 : vector<16xf32>
      %broadcast_in_dim3A_105 = arith.constant 4 : i32
      %broadcast_in_dim3A_106 = vector.broadcast %broadcast_in_dim3A_105 : i32 to vector<16xi32>
      %gather3A_107 = tpu.vector_load_idx %arg10[%add3A_58, %broadcast_in_dim3A_106] : memref<128x32xf32, #tpu.memory_space<vmem>>[vector<16xi32>, vector<16xi32>], vector<16xf32>,
      %gather3A_108 = tpu.vector_load_idx %arg11[%add3A_58, %broadcast_in_dim3A_106] : memref<128x32xf32, #tpu.memory_space<vmem>>[vector<16xi32>, vector<16xi32>], vector<16xf32>,
      %sub3A_109 = arith.subf %gather3A_107, %gather3A_108 : vector<16xf32>
      %gather3A_110 = tpu.vector_load_idx %arg12[%add3A_58, %broadcast_in_dim3A_106] : memref<128x32xf32, #tpu.memory_space<vmem>>[vector<16xi32>, vector<16xi32>], vector<16xf32>,
      %sub3A_111 = arith.subf %gather3A_107, %gather3A_110 : vector<16xf32>
      %mul3A_112 = arith.mulf %sub3A_109, %sub3A_109 : vector<16xf32>
      %add3A_113 = arith.addf %add3A_102, %mul3A_112 : vector<16xf32>
      %mul3A_114 = arith.mulf %sub3A_111, %sub3A_111 : vector<16xf32>
      %add3A_115 = arith.addf %add3A_104, %mul3A_114 : vector<16xf32>
      %broadcast_in_dim3A_116 = arith.constant 5 : i32
      %broadcast_in_dim3A_117 = vector.broadcast %broadcast_in_dim3A_116 : i32 to vector<16xi32>
      %gather3A_118 = tpu.vector_load_idx %arg10[%add3A_58, %broadcast_in_dim3A_117] : memref<128x32xf32, #tpu.memory_space<vmem>>[vector<16xi32>, vector<16xi32>], vector<16xf32>,
      %gather3A_119 = tpu.vector_load_idx %arg11[%add3A_58, %broadcast_in_dim3A_117] : memref<128x32xf32, #tpu.memory_space<vmem>>[vector<16xi32>, vector<16xi32>], vector<16xf32>,
      %sub3A_120 = arith.subf %gather3A_118, %gather3A_119 : vector<16xf32>
      %gather3A_121 = tpu.vector_load_idx %arg12[%add3A_58, %broadcast_in_dim3A_117] : memref<128x32xf32, #tpu.memory_space<vmem>>[vector<16xi32>, vector<16xi32>], vector<16xf32>,
      %sub3A_122 = arith.subf %gather3A_118, %gather3A_121 : vector<16xf32>
      %mul3A_123 = arith.mulf %sub3A_120, %sub3A_120 : vector<16xf32>
      %add3A_124 = arith.addf %add3A_113, %mul3A_123 : vector<16xf32>
      %mul3A_125 = arith.mulf %sub3A_122, %sub3A_122 : vector<16xf32>
      %add3A_126 = arith.addf %add3A_115, %mul3A_125 : vector<16xf32>
      %broadcast_in_dim3A_127 = arith.constant 6 : i32
      %broadcast_in_dim3A_128 = vector.broadcast %broadcast_in_dim3A_127 : i32 to vector<16xi32>
      %gather3A_129 = tpu.vector_load_idx %arg10[%add3A_58, %broadcast_in_dim3A_128] : memref<128x32xf32, #tpu.memory_space<vmem>>[vector<16xi32>, vector<16xi32>], vector<16xf32>,
      %gather3A_130 = tpu.vector_load_idx %arg11[%add3A_58, %broadcast_in_dim3A_128] : memref<128x32xf32, #tpu.memory_space<vmem>>[vector<16xi32>, vector<16xi32>], vector<16xf32>,
      %sub3A_131 = arith.subf %gather3A_129, %gather3A_130 : vector<16xf32>
      %gather3A_132 = tpu.vector_load_idx %arg12[%add3A_58, %broadcast_in_dim3A_128] : memref<128x32xf32, #tpu.memory_space<vmem>>[vector<16xi32>, vector<16xi32>], vector<16xf32>,
      %sub3A_133 = arith.subf %gather3A_129, %gather3A_132 : vector<16xf32>
      %mul3A_134 = arith.mulf %sub3A_131, %sub3A_131 : vector<16xf32>
      %add3A_135 = arith.addf %add3A_124, %mul3A_134 : vector<16xf32>
      %mul3A_136 = arith.mulf %sub3A_133, %sub3A_133 : vector<16xf32>
      %add3A_137 = arith.addf %add3A_126, %mul3A_136 : vector<16xf32>
      %broadcast_in_dim3A_138 = arith.constant 7 : i32
      %broadcast_in_dim3A_139 = vector.broadcast %broadcast_in_dim3A_138 : i32 to vector<16xi32>
      %gather3A_140 = tpu.vector_load_idx %arg10[%add3A_58, %broadcast_in_dim3A_139] : memref<128x32xf32, #tpu.memory_space<vmem>>[vector<16xi32>, vector<16xi32>], vector<16xf32>,
      %gather3A_141 = tpu.vector_load_idx %arg11[%add3A_58, %broadcast_in_dim3A_139] : memref<128x32xf32, #tpu.memory_space<vmem>>[vector<16xi32>, vector<16xi32>], vector<16xf32>,
      %sub3A_142 = arith.subf %gather3A_140, %gather3A_141 : vector<16xf32>
      %gather3A_143 = tpu.vector_load_idx %arg12[%add3A_58, %broadcast_in_dim3A_139] : memref<128x32xf32, #tpu.memory_space<vmem>>[vector<16xi32>, vector<16xi32>], vector<16xf32>,
      %sub3A_144 = arith.subf %gather3A_140, %gather3A_143 : vector<16xf32>
      %mul3A_145 = arith.mulf %sub3A_142, %sub3A_142 : vector<16xf32>
      %add3A_146 = arith.addf %add3A_135, %mul3A_145 : vector<16xf32>
      %mul3A_147 = arith.mulf %sub3A_144, %sub3A_144 : vector<16xf32>
      %add3A_148 = arith.addf %add3A_137, %mul3A_147 : vector<16xf32>
      %broadcast_in_dim3A_149 = arith.constant 8 : i32
      %broadcast_in_dim3A_150 = vector.broadcast %broadcast_in_dim3A_149 : i32 to vector<16xi32>
      %gather3A_151 = tpu.vector_load_idx %arg10[%add3A_58, %broadcast_in_dim3A_150] : memref<128x32xf32, #tpu.memory_space<vmem>>[vector<16xi32>, vector<16xi32>], vector<16xf32>,
      %gather3A_152 = tpu.vector_load_idx %arg11[%add3A_58, %broadcast_in_dim3A_150] : memref<128x32xf32, #tpu.memory_space<vmem>>[vector<16xi32>, vector<16xi32>], vector<16xf32>,
      %sub3A_153 = arith.subf %gather3A_151, %gather3A_152 : vector<16xf32>
      %gather3A_154 = tpu.vector_load_idx %arg12[%add3A_58, %broadcast_in_dim3A_150] : memref<128x32xf32, #tpu.memory_space<vmem>>[vector<16xi32>, vector<16xi32>], vector<16xf32>,
      %sub3A_155 = arith.subf %gather3A_151, %gather3A_154 : vector<16xf32>
      %mul3A_156 = arith.mulf %sub3A_153, %sub3A_153 : vector<16xf32>
      %add3A_157 = arith.addf %add3A_146, %mul3A_156 : vector<16xf32>
      %mul3A_158 = arith.mulf %sub3A_155, %sub3A_155 : vector<16xf32>
      %add3A_159 = arith.addf %add3A_148, %mul3A_158 : vector<16xf32>
      %broadcast_in_dim3A_160 = arith.constant 9 : i32
      %broadcast_in_dim3A_161 = vector.broadcast %broadcast_in_dim3A_160 : i32 to vector<16xi32>
      %gather3A_162 = tpu.vector_load_idx %arg10[%add3A_58, %broadcast_in_dim3A_161] : memref<128x32xf32, #tpu.memory_space<vmem>>[vector<16xi32>, vector<16xi32>], vector<16xf32>,
      %gather3A_163 = tpu.vector_load_idx %arg11[%add3A_58, %broadcast_in_dim3A_161] : memref<128x32xf32, #tpu.memory_space<vmem>>[vector<16xi32>, vector<16xi32>], vector<16xf32>,
      %sub3A_164 = arith.subf %gather3A_162, %gather3A_163 : vector<16xf32>
      %gather3A_165 = tpu.vector_load_idx %arg12[%add3A_58, %broadcast_in_dim3A_161] : memref<128x32xf32, #tpu.memory_space<vmem>>[vector<16xi32>, vector<16xi32>], vector<16xf32>,
      %sub3A_166 = arith.subf %gather3A_162, %gather3A_165 : vector<16xf32>
      %mul3A_167 = arith.mulf %sub3A_164, %sub3A_164 : vector<16xf32>
      %add3A_168 = arith.addf %add3A_157, %mul3A_167 : vector<16xf32>
      %mul3A_169 = arith.mulf %sub3A_166, %sub3A_166 : vector<16xf32>
      %add3A_170 = arith.addf %add3A_159, %mul3A_169 : vector<16xf32>
      %broadcast_in_dim3A_171 = arith.constant 10 : i32
      %broadcast_in_dim3A_172 = vector.broadcast %broadcast_in_dim3A_171 : i32 to vector<16xi32>
      %gather3A_173 = tpu.vector_load_idx %arg10[%add3A_58, %broadcast_in_dim3A_172] : memref<128x32xf32, #tpu.memory_space<vmem>>[vector<16xi32>, vector<16xi32>], vector<16xf32>,
      %gather3A_174 = tpu.vector_load_idx %arg11[%add3A_58, %broadcast_in_dim3A_172] : memref<128x32xf32, #tpu.memory_space<vmem>>[vector<16xi32>, vector<16xi32>], vector<16xf32>,
      %sub3A_175 = arith.subf %gather3A_173, %gather3A_174 : vector<16xf32>
      %gather3A_176 = tpu.vector_load_idx %arg12[%add3A_58, %broadcast_in_dim3A_172] : memref<128x32xf32, #tpu.memory_space<vmem>>[vector<16xi32>, vector<16xi32>], vector<16xf32>,
      %sub3A_177 = arith.subf %gather3A_173, %gather3A_176 : vector<16xf32>
      %mul3A_178 = arith.mulf %sub3A_175, %sub3A_175 : vector<16xf32>
      %add3A_179 = arith.addf %add3A_168, %mul3A_178 : vector<16xf32>
      %mul3A_180 = arith.mulf %sub3A_177, %sub3A_177 : vector<16xf32>
      %add3A_181 = arith.addf %add3A_170, %mul3A_180 : vector<16xf32>
      %broadcast_in_dim3A_182 = arith.constant 11 : i32
      %broadcast_in_dim3A_183 = vector.broadcast %broadcast_in_dim3A_182 : i32 to vector<16xi32>
      %gather3A_184 = tpu.vector_load_idx %arg10[%add3A_58, %broadcast_in_dim3A_183] : memref<128x32xf32, #tpu.memory_space<vmem>>[vector<16xi32>, vector<16xi32>], vector<16xf32>,
      %gather3A_185 = tpu.vector_load_idx %arg11[%add3A_58, %broadcast_in_dim3A_183] : memref<128x32xf32, #tpu.memory_space<vmem>>[vector<16xi32>, vector<16xi32>], vector<16xf32>,
      %sub3A_186 = arith.subf %gather3A_184, %gather3A_185 : vector<16xf32>
      %gather3A_187 = tpu.vector_load_idx %arg12[%add3A_58, %broadcast_in_dim3A_183] : memref<128x32xf32, #tpu.memory_space<vmem>>[vector<16xi32>, vector<16xi32>], vector<16xf32>,
      %sub3A_188 = arith.subf %gather3A_184, %gather3A_187 : vector<16xf32>
      %mul3A_189 = arith.mulf %sub3A_186, %sub3A_186 : vector<16xf32>
      %add3A_190 = arith.addf %add3A_179, %mul3A_189 : vector<16xf32>
      %mul3A_191 = arith.mulf %sub3A_188, %sub3A_188 : vector<16xf32>
      %add3A_192 = arith.addf %add3A_181, %mul3A_191 : vector<16xf32>
      %broadcast_in_dim3A_193 = arith.constant 12 : i32
      %broadcast_in_dim3A_194 = vector.broadcast %broadcast_in_dim3A_193 : i32 to vector<16xi32>
      %gather3A_195 = tpu.vector_load_idx %arg10[%add3A_58, %broadcast_in_dim3A_194] : memref<128x32xf32, #tpu.memory_space<vmem>>[vector<16xi32>, vector<16xi32>], vector<16xf32>,
      %gather3A_196 = tpu.vector_load_idx %arg11[%add3A_58, %broadcast_in_dim3A_194] : memref<128x32xf32, #tpu.memory_space<vmem>>[vector<16xi32>, vector<16xi32>], vector<16xf32>,
      %sub3A_197 = arith.subf %gather3A_195, %gather3A_196 : vector<16xf32>
      %gather3A_198 = tpu.vector_load_idx %arg12[%add3A_58, %broadcast_in_dim3A_194] : memref<128x32xf32, #tpu.memory_space<vmem>>[vector<16xi32>, vector<16xi32>], vector<16xf32>,
      %sub3A_199 = arith.subf %gather3A_195, %gather3A_198 : vector<16xf32>
      %mul3A_200 = arith.mulf %sub3A_197, %sub3A_197 : vector<16xf32>
      %add3A_201 = arith.addf %add3A_190, %mul3A_200 : vector<16xf32>
      %mul3A_202 = arith.mulf %sub3A_199, %sub3A_199 : vector<16xf32>
      %add3A_203 = arith.addf %add3A_192, %mul3A_202 : vector<16xf32>
      %broadcast_in_dim3A_204 = arith.constant 13 : i32
      %broadcast_in_dim3A_205 = vector.broadcast %broadcast_in_dim3A_204 : i32 to vector<16xi32>
      %gather3A_206 = tpu.vector_load_idx %arg10[%add3A_58, %broadcast_in_dim3A_205] : memref<128x32xf32, #tpu.memory_space<vmem>>[vector<16xi32>, vector<16xi32>], vector<16xf32>,
      %gather3A_207 = tpu.vector_load_idx %arg11[%add3A_58, %broadcast_in_dim3A_205] : memref<128x32xf32, #tpu.memory_space<vmem>>[vector<16xi32>, vector<16xi32>], vector<16xf32>,
      %sub3A_208 = arith.subf %gather3A_206, %gather3A_207 : vector<16xf32>
      %gather3A_209 = tpu.vector_load_idx %arg12[%add3A_58, %broadcast_in_dim3A_205] : memref<128x32xf32, #tpu.memory_space<vmem>>[vector<16xi32>, vector<16xi32>], vector<16xf32>,
      %sub3A_210 = arith.subf %gather3A_206, %gather3A_209 : vector<16xf32>
      %mul3A_211 = arith.mulf %sub3A_208, %sub3A_208 : vector<16xf32>
      %add3A_212 = arith.addf %add3A_201, %mul3A_211 : vector<16xf32>
      %mul3A_213 = arith.mulf %sub3A_210, %sub3A_210 : vector<16xf32>
      %add3A_214 = arith.addf %add3A_203, %mul3A_213 : vector<16xf32>
      %broadcast_in_dim3A_215 = arith.constant 14 : i32
      %broadcast_in_dim3A_216 = vector.broadcast %broadcast_in_dim3A_215 : i32 to vector<16xi32>
      %gather3A_217 = tpu.vector_load_idx %arg10[%add3A_58, %broadcast_in_dim3A_216] : memref<128x32xf32, #tpu.memory_space<vmem>>[vector<16xi32>, vector<16xi32>], vector<16xf32>,
      %gather3A_218 = tpu.vector_load_idx %arg11[%add3A_58, %broadcast_in_dim3A_216] : memref<128x32xf32, #tpu.memory_space<vmem>>[vector<16xi32>, vector<16xi32>], vector<16xf32>,
      %sub3A_219 = arith.subf %gather3A_217, %gather3A_218 : vector<16xf32>
      %gather3A_220 = tpu.vector_load_idx %arg12[%add3A_58, %broadcast_in_dim3A_216] : memref<128x32xf32, #tpu.memory_space<vmem>>[vector<16xi32>, vector<16xi32>], vector<16xf32>,
      %sub3A_221 = arith.subf %gather3A_217, %gather3A_220 : vector<16xf32>
      %mul3A_222 = arith.mulf %sub3A_219, %sub3A_219 : vector<16xf32>
      %add3A_223 = arith.addf %add3A_212, %mul3A_222 : vector<16xf32>
      %mul3A_224 = arith.mulf %sub3A_221, %sub3A_221 : vector<16xf32>
      %add3A_225 = arith.addf %add3A_214, %mul3A_224 : vector<16xf32>
      %broadcast_in_dim3A_226 = arith.constant 15 : i32
      %broadcast_in_dim3A_227 = vector.broadcast %broadcast_in_dim3A_226 : i32 to vector<16xi32>
      %gather3A_228 = tpu.vector_load_idx %arg10[%add3A_58, %broadcast_in_dim3A_227] : memref<128x32xf32, #tpu.memory_space<vmem>>[vector<16xi32>, vector<16xi32>], vector<16xf32>,
      %gather3A_229 = tpu.vector_load_idx %arg11[%add3A_58, %broadcast_in_dim3A_227] : memref<128x32xf32, #tpu.memory_space<vmem>>[vector<16xi32>, vector<16xi32>], vector<16xf32>,
      %sub3A_230 = arith.subf %gather3A_228, %gather3A_229 : vector<16xf32>
      %gather3A_231 = tpu.vector_load_idx %arg12[%add3A_58, %broadcast_in_dim3A_227] : memref<128x32xf32, #tpu.memory_space<vmem>>[vector<16xi32>, vector<16xi32>], vector<16xf32>,
      %sub3A_232 = arith.subf %gather3A_228, %gather3A_231 : vector<16xf32>
      %mul3A_233 = arith.mulf %sub3A_230, %sub3A_230 : vector<16xf32>
      %add3A_234 = arith.addf %add3A_223, %mul3A_233 : vector<16xf32>
      %mul3A_235 = arith.mulf %sub3A_232, %sub3A_232 : vector<16xf32>
      %add3A_236 = arith.addf %add3A_225, %mul3A_235 : vector<16xf32>
      %broadcast_in_dim3A_237 = arith.constant 16 : i32
      %broadcast_in_dim3A_238 = vector.broadcast %broadcast_in_dim3A_237 : i32 to vector<16xi32>
      %gather3A_239 = tpu.vector_load_idx %arg10[%add3A_58, %broadcast_in_dim3A_238] : memref<128x32xf32, #tpu.memory_space<vmem>>[vector<16xi32>, vector<16xi32>], vector<16xf32>,
      %gather3A_240 = tpu.vector_load_idx %arg11[%add3A_58, %broadcast_in_dim3A_238] : memref<128x32xf32, #tpu.memory_space<vmem>>[vector<16xi32>, vector<16xi32>], vector<16xf32>,
      %sub3A_241 = arith.subf %gather3A_239, %gather3A_240 : vector<16xf32>
      %gather3A_242 = tpu.vector_load_idx %arg12[%add3A_58, %broadcast_in_dim3A_238] : memref<128x32xf32, #tpu.memory_space<vmem>>[vector<16xi32>, vector<16xi32>], vector<16xf32>,
      %sub3A_243 = arith.subf %gather3A_239, %gather3A_242 : vector<16xf32>
      %mul3A_244 = arith.mulf %sub3A_241, %sub3A_241 : vector<16xf32>
      %add3A_245 = arith.addf %add3A_234, %mul3A_244 : vector<16xf32>
      %mul3A_246 = arith.mulf %sub3A_243, %sub3A_243 : vector<16xf32>
      %add3A_247 = arith.addf %add3A_236, %mul3A_246 : vector<16xf32>
      %broadcast_in_dim3A_248 = arith.constant 17 : i32
      %broadcast_in_dim3A_249 = vector.broadcast %broadcast_in_dim3A_248 : i32 to vector<16xi32>
      %gather3A_250 = tpu.vector_load_idx %arg10[%add3A_58, %broadcast_in_dim3A_249] : memref<128x32xf32, #tpu.memory_space<vmem>>[vector<16xi32>, vector<16xi32>], vector<16xf32>,
      %gather3A_251 = tpu.vector_load_idx %arg11[%add3A_58, %broadcast_in_dim3A_249] : memref<128x32xf32, #tpu.memory_space<vmem>>[vector<16xi32>, vector<16xi32>], vector<16xf32>,
      %sub3A_252 = arith.subf %gather3A_250, %gather3A_251 : vector<16xf32>
      %gather3A_253 = tpu.vector_load_idx %arg12[%add3A_58, %broadcast_in_dim3A_249] : memref<128x32xf32, #tpu.memory_space<vmem>>[vector<16xi32>, vector<16xi32>], vector<16xf32>,
      %sub3A_254 = arith.subf %gather3A_250, %gather3A_253 : vector<16xf32>
      %mul3A_255 = arith.mulf %sub3A_252, %sub3A_252 : vector<16xf32>
      %add3A_256 = arith.addf %add3A_245, %mul3A_255 : vector<16xf32>
      %mul3A_257 = arith.mulf %sub3A_254, %sub3A_254 : vector<16xf32>
      %add3A_258 = arith.addf %add3A_247, %mul3A_257 : vector<16xf32>
      %broadcast_in_dim3A_259 = arith.constant 18 : i32
      %broadcast_in_dim3A_260 = vector.broadcast %broadcast_in_dim3A_259 : i32 to vector<16xi32>
      %gather3A_261 = tpu.vector_load_idx %arg10[%add3A_58, %broadcast_in_dim3A_260] : memref<128x32xf32, #tpu.memory_space<vmem>>[vector<16xi32>, vector<16xi32>], vector<16xf32>,
      %gather3A_262 = tpu.vector_load_idx %arg11[%add3A_58, %broadcast_in_dim3A_260] : memref<128x32xf32, #tpu.memory_space<vmem>>[vector<16xi32>, vector<16xi32>], vector<16xf32>,
      %sub3A_263 = arith.subf %gather3A_261, %gather3A_262 : vector<16xf32>
      %gather3A_264 = tpu.vector_load_idx %arg12[%add3A_58, %broadcast_in_dim3A_260] : memref<128x32xf32, #tpu.memory_space<vmem>>[vector<16xi32>, vector<16xi32>], vector<16xf32>,
      %sub3A_265 = arith.subf %gather3A_261, %gather3A_264 : vector<16xf32>
      %mul3A_266 = arith.mulf %sub3A_263, %sub3A_263 : vector<16xf32>
      %add3A_267 = arith.addf %add3A_256, %mul3A_266 : vector<16xf32>
      %mul3A_268 = arith.mulf %sub3A_265, %sub3A_265 : vector<16xf32>
      %add3A_269 = arith.addf %add3A_258, %mul3A_268 : vector<16xf32>
      %broadcast_in_dim3A_270 = arith.constant 19 : i32
      %broadcast_in_dim3A_271 = vector.broadcast %broadcast_in_dim3A_270 : i32 to vector<16xi32>
      %gather3A_272 = tpu.vector_load_idx %arg10[%add3A_58, %broadcast_in_dim3A_271] : memref<128x32xf32, #tpu.memory_space<vmem>>[vector<16xi32>, vector<16xi32>], vector<16xf32>,
      %gather3A_273 = tpu.vector_load_idx %arg11[%add3A_58, %broadcast_in_dim3A_271] : memref<128x32xf32, #tpu.memory_space<vmem>>[vector<16xi32>, vector<16xi32>], vector<16xf32>,
      %sub3A_274 = arith.subf %gather3A_272, %gather3A_273 : vector<16xf32>
      %gather3A_275 = tpu.vector_load_idx %arg12[%add3A_58, %broadcast_in_dim3A_271] : memref<128x32xf32, #tpu.memory_space<vmem>>[vector<16xi32>, vector<16xi32>], vector<16xf32>,
      %sub3A_276 = arith.subf %gather3A_272, %gather3A_275 : vector<16xf32>
      %mul3A_277 = arith.mulf %sub3A_274, %sub3A_274 : vector<16xf32>
      %add3A_278 = arith.addf %add3A_267, %mul3A_277 : vector<16xf32>
      %mul3A_279 = arith.mulf %sub3A_276, %sub3A_276 : vector<16xf32>
      %add3A_280 = arith.addf %add3A_269, %mul3A_279 : vector<16xf32>
      %broadcast_in_dim3A_281 = arith.constant 20 : i32
      %broadcast_in_dim3A_282 = vector.broadcast %broadcast_in_dim3A_281 : i32 to vector<16xi32>
      %gather3A_283 = tpu.vector_load_idx %arg10[%add3A_58, %broadcast_in_dim3A_282] : memref<128x32xf32, #tpu.memory_space<vmem>>[vector<16xi32>, vector<16xi32>], vector<16xf32>,
      %gather3A_284 = tpu.vector_load_idx %arg11[%add3A_58, %broadcast_in_dim3A_282] : memref<128x32xf32, #tpu.memory_space<vmem>>[vector<16xi32>, vector<16xi32>], vector<16xf32>,
      %sub3A_285 = arith.subf %gather3A_283, %gather3A_284 : vector<16xf32>
      %gather3A_286 = tpu.vector_load_idx %arg12[%add3A_58, %broadcast_in_dim3A_282] : memref<128x32xf32, #tpu.memory_space<vmem>>[vector<16xi32>, vector<16xi32>], vector<16xf32>,
      %sub3A_287 = arith.subf %gather3A_283, %gather3A_286 : vector<16xf32>
      %mul3A_288 = arith.mulf %sub3A_285, %sub3A_285 : vector<16xf32>
      %add3A_289 = arith.addf %add3A_278, %mul3A_288 : vector<16xf32>
      %mul3A_290 = arith.mulf %sub3A_287, %sub3A_287 : vector<16xf32>
      %add3A_291 = arith.addf %add3A_280, %mul3A_290 : vector<16xf32>
      %broadcast_in_dim3A_292 = arith.constant 21 : i32
      %broadcast_in_dim3A_293 = vector.broadcast %broadcast_in_dim3A_292 : i32 to vector<16xi32>
      %gather3A_294 = tpu.vector_load_idx %arg10[%add3A_58, %broadcast_in_dim3A_293] : memref<128x32xf32, #tpu.memory_space<vmem>>[vector<16xi32>, vector<16xi32>], vector<16xf32>,
      %gather3A_295 = tpu.vector_load_idx %arg11[%add3A_58, %broadcast_in_dim3A_293] : memref<128x32xf32, #tpu.memory_space<vmem>>[vector<16xi32>, vector<16xi32>], vector<16xf32>,
      %sub3A_296 = arith.subf %gather3A_294, %gather3A_295 : vector<16xf32>
      %gather3A_297 = tpu.vector_load_idx %arg12[%add3A_58, %broadcast_in_dim3A_293] : memref<128x32xf32, #tpu.memory_space<vmem>>[vector<16xi32>, vector<16xi32>], vector<16xf32>,
      %sub3A_298 = arith.subf %gather3A_294, %gather3A_297 : vector<16xf32>
      %mul3A_299 = arith.mulf %sub3A_296, %sub3A_296 : vector<16xf32>
      %add3A_300 = arith.addf %add3A_289, %mul3A_299 : vector<16xf32>
      %mul3A_301 = arith.mulf %sub3A_298, %sub3A_298 : vector<16xf32>
      %add3A_302 = arith.addf %add3A_291, %mul3A_301 : vector<16xf32>
      %broadcast_in_dim3A_303 = arith.constant 22 : i32
      %broadcast_in_dim3A_304 = vector.broadcast %broadcast_in_dim3A_303 : i32 to vector<16xi32>
      %gather3A_305 = tpu.vector_load_idx %arg10[%add3A_58, %broadcast_in_dim3A_304] : memref<128x32xf32, #tpu.memory_space<vmem>>[vector<16xi32>, vector<16xi32>], vector<16xf32>,
      %gather3A_306 = tpu.vector_load_idx %arg11[%add3A_58, %broadcast_in_dim3A_304] : memref<128x32xf32, #tpu.memory_space<vmem>>[vector<16xi32>, vector<16xi32>], vector<16xf32>,
      %sub3A_307 = arith.subf %gather3A_305, %gather3A_306 : vector<16xf32>
      %gather3A_308 = tpu.vector_load_idx %arg12[%add3A_58, %broadcast_in_dim3A_304] : memref<128x32xf32, #tpu.memory_space<vmem>>[vector<16xi32>, vector<16xi32>], vector<16xf32>,
      %sub3A_309 = arith.subf %gather3A_305, %gather3A_308 : vector<16xf32>
      %mul3A_310 = arith.mulf %sub3A_307, %sub3A_307 : vector<16xf32>
      %add3A_311 = arith.addf %add3A_300, %mul3A_310 : vector<16xf32>
      %mul3A_312 = arith.mulf %sub3A_309, %sub3A_309 : vector<16xf32>
      %add3A_313 = arith.addf %add3A_302, %mul3A_312 : vector<16xf32>
      %broadcast_in_dim3A_314 = arith.constant 23 : i32
      %broadcast_in_dim3A_315 = vector.broadcast %broadcast_in_dim3A_314 : i32 to vector<16xi32>
      %gather3A_316 = tpu.vector_load_idx %arg10[%add3A_58, %broadcast_in_dim3A_315] : memref<128x32xf32, #tpu.memory_space<vmem>>[vector<16xi32>, vector<16xi32>], vector<16xf32>,
      %gather3A_317 = tpu.vector_load_idx %arg11[%add3A_58, %broadcast_in_dim3A_315] : memref<128x32xf32, #tpu.memory_space<vmem>>[vector<16xi32>, vector<16xi32>], vector<16xf32>,
      %sub3A_318 = arith.subf %gather3A_316, %gather3A_317 : vector<16xf32>
      %gather3A_319 = tpu.vector_load_idx %arg12[%add3A_58, %broadcast_in_dim3A_315] : memref<128x32xf32, #tpu.memory_space<vmem>>[vector<16xi32>, vector<16xi32>], vector<16xf32>,
      %sub3A_320 = arith.subf %gather3A_316, %gather3A_319 : vector<16xf32>
      %mul3A_321 = arith.mulf %sub3A_318, %sub3A_318 : vector<16xf32>
      %add3A_322 = arith.addf %add3A_311, %mul3A_321 : vector<16xf32>
      %mul3A_323 = arith.mulf %sub3A_320, %sub3A_320 : vector<16xf32>
      %add3A_324 = arith.addf %add3A_313, %mul3A_323 : vector<16xf32>
      %broadcast_in_dim3A_325 = arith.constant 24 : i32
      %broadcast_in_dim3A_326 = vector.broadcast %broadcast_in_dim3A_325 : i32 to vector<16xi32>
      %gather3A_327 = tpu.vector_load_idx %arg10[%add3A_58, %broadcast_in_dim3A_326] : memref<128x32xf32, #tpu.memory_space<vmem>>[vector<16xi32>, vector<16xi32>], vector<16xf32>,
      %gather3A_328 = tpu.vector_load_idx %arg11[%add3A_58, %broadcast_in_dim3A_326] : memref<128x32xf32, #tpu.memory_space<vmem>>[vector<16xi32>, vector<16xi32>], vector<16xf32>,
      %sub3A_329 = arith.subf %gather3A_327, %gather3A_328 : vector<16xf32>
      %gather3A_330 = tpu.vector_load_idx %arg12[%add3A_58, %broadcast_in_dim3A_326] : memref<128x32xf32, #tpu.memory_space<vmem>>[vector<16xi32>, vector<16xi32>], vector<16xf32>,
      %sub3A_331 = arith.subf %gather3A_327, %gather3A_330 : vector<16xf32>
      %mul3A_332 = arith.mulf %sub3A_329, %sub3A_329 : vector<16xf32>
      %add3A_333 = arith.addf %add3A_322, %mul3A_332 : vector<16xf32>
      %mul3A_334 = arith.mulf %sub3A_331, %sub3A_331 : vector<16xf32>
      %add3A_335 = arith.addf %add3A_324, %mul3A_334 : vector<16xf32>
      %broadcast_in_dim3A_336 = arith.constant 25 : i32
      %broadcast_in_dim3A_337 = vector.broadcast %broadcast_in_dim3A_336 : i32 to vector<16xi32>
      %gather3A_338 = tpu.vector_load_idx %arg10[%add3A_58, %broadcast_in_dim3A_337] : memref<128x32xf32, #tpu.memory_space<vmem>>[vector<16xi32>, vector<16xi32>], vector<16xf32>,
      %gather3A_339 = tpu.vector_load_idx %arg11[%add3A_58, %broadcast_in_dim3A_337] : memref<128x32xf32, #tpu.memory_space<vmem>>[vector<16xi32>, vector<16xi32>], vector<16xf32>,
      %sub3A_340 = arith.subf %gather3A_338, %gather3A_339 : vector<16xf32>
      %gather3A_341 = tpu.vector_load_idx %arg12[%add3A_58, %broadcast_in_dim3A_337] : memref<128x32xf32, #tpu.memory_space<vmem>>[vector<16xi32>, vector<16xi32>], vector<16xf32>,
      %sub3A_342 = arith.subf %gather3A_338, %gather3A_341 : vector<16xf32>
      %mul3A_343 = arith.mulf %sub3A_340, %sub3A_340 : vector<16xf32>
      %add3A_344 = arith.addf %add3A_333, %mul3A_343 : vector<16xf32>
      %mul3A_345 = arith.mulf %sub3A_342, %sub3A_342 : vector<16xf32>
      %add3A_346 = arith.addf %add3A_335, %mul3A_345 : vector<16xf32>
      %broadcast_in_dim3A_347 = arith.constant 26 : i32
      %broadcast_in_dim3A_348 = vector.broadcast %broadcast_in_dim3A_347 : i32 to vector<16xi32>
      %gather3A_349 = tpu.vector_load_idx %arg10[%add3A_58, %broadcast_in_dim3A_348] : memref<128x32xf32, #tpu.memory_space<vmem>>[vector<16xi32>, vector<16xi32>], vector<16xf32>,
      %gather3A_350 = tpu.vector_load_idx %arg11[%add3A_58, %broadcast_in_dim3A_348] : memref<128x32xf32, #tpu.memory_space<vmem>>[vector<16xi32>, vector<16xi32>], vector<16xf32>,
      %sub3A_351 = arith.subf %gather3A_349, %gather3A_350 : vector<16xf32>
      %gather3A_352 = tpu.vector_load_idx %arg12[%add3A_58, %broadcast_in_dim3A_348] : memref<128x32xf32, #tpu.memory_space<vmem>>[vector<16xi32>, vector<16xi32>], vector<16xf32>,
      %sub3A_353 = arith.subf %gather3A_349, %gather3A_352 : vector<16xf32>
      %mul3A_354 = arith.mulf %sub3A_351, %sub3A_351 : vector<16xf32>
      %add3A_355 = arith.addf %add3A_344, %mul3A_354 : vector<16xf32>
      %mul3A_356 = arith.mulf %sub3A_353, %sub3A_353 : vector<16xf32>
      %add3A_357 = arith.addf %add3A_346, %mul3A_356 : vector<16xf32>
      %broadcast_in_dim3A_358 = arith.constant 27 : i32
      %broadcast_in_dim3A_359 = vector.broadcast %broadcast_in_dim3A_358 : i32 to vector<16xi32>
      %gather3A_360 = tpu.vector_load_idx %arg10[%add3A_58, %broadcast_in_dim3A_359] : memref<128x32xf32, #tpu.memory_space<vmem>>[vector<16xi32>, vector<16xi32>], vector<16xf32>,
      %gather3A_361 = tpu.vector_load_idx %arg11[%add3A_58, %broadcast_in_dim3A_359] : memref<128x32xf32, #tpu.memory_space<vmem>>[vector<16xi32>, vector<16xi32>], vector<16xf32>,
      %sub3A_362 = arith.subf %gather3A_360, %gather3A_361 : vector<16xf32>
      %gather3A_363 = tpu.vector_load_idx %arg12[%add3A_58, %broadcast_in_dim3A_359] : memref<128x32xf32, #tpu.memory_space<vmem>>[vector<16xi32>, vector<16xi32>], vector<16xf32>,
      %sub3A_364 = arith.subf %gather3A_360, %gather3A_363 : vector<16xf32>
      %mul3A_365 = arith.mulf %sub3A_362, %sub3A_362 : vector<16xf32>
      %add3A_366 = arith.addf %add3A_355, %mul3A_365 : vector<16xf32>
      %mul3A_367 = arith.mulf %sub3A_364, %sub3A_364 : vector<16xf32>
      %add3A_368 = arith.addf %add3A_357, %mul3A_367 : vector<16xf32>
      %broadcast_in_dim3A_369 = arith.constant 28 : i32
      %broadcast_in_dim3A_370 = vector.broadcast %broadcast_in_dim3A_369 : i32 to vector<16xi32>
      %gather3A_371 = tpu.vector_load_idx %arg10[%add3A_58, %broadcast_in_dim3A_370] : memref<128x32xf32, #tpu.memory_space<vmem>>[vector<16xi32>, vector<16xi32>], vector<16xf32>,
      %gather3A_372 = tpu.vector_load_idx %arg11[%add3A_58, %broadcast_in_dim3A_370] : memref<128x32xf32, #tpu.memory_space<vmem>>[vector<16xi32>, vector<16xi32>], vector<16xf32>,
      %sub3A_373 = arith.subf %gather3A_371, %gather3A_372 : vector<16xf32>
      %gather3A_374 = tpu.vector_load_idx %arg12[%add3A_58, %broadcast_in_dim3A_370] : memref<128x32xf32, #tpu.memory_space<vmem>>[vector<16xi32>, vector<16xi32>], vector<16xf32>,
      %sub3A_375 = arith.subf %gather3A_371, %gather3A_374 : vector<16xf32>
      %mul3A_376 = arith.mulf %sub3A_373, %sub3A_373 : vector<16xf32>
      %add3A_377 = arith.addf %add3A_366, %mul3A_376 : vector<16xf32>
      %mul3A_378 = arith.mulf %sub3A_375, %sub3A_375 : vector<16xf32>
      %add3A_379 = arith.addf %add3A_368, %mul3A_378 : vector<16xf32>
      %broadcast_in_dim3A_380 = arith.constant 29 : i32
      %broadcast_in_dim3A_381 = vector.broadcast %broadcast_in_dim3A_380 : i32 to vector<16xi32>
      %gather3A_382 = tpu.vector_load_idx %arg10[%add3A_58, %broadcast_in_dim3A_381] : memref<128x32xf32, #tpu.memory_space<vmem>>[vector<16xi32>, vector<16xi32>], vector<16xf32>,
      %gather3A_383 = tpu.vector_load_idx %arg11[%add3A_58, %broadcast_in_dim3A_381] : memref<128x32xf32, #tpu.memory_space<vmem>>[vector<16xi32>, vector<16xi32>], vector<16xf32>,
      %sub3A_384 = arith.subf %gather3A_382, %gather3A_383 : vector<16xf32>
      %gather3A_385 = tpu.vector_load_idx %arg12[%add3A_58, %broadcast_in_dim3A_381] : memref<128x32xf32, #tpu.memory_space<vmem>>[vector<16xi32>, vector<16xi32>], vector<16xf32>,
      %sub3A_386 = arith.subf %gather3A_382, %gather3A_385 : vector<16xf32>
      %mul3A_387 = arith.mulf %sub3A_384, %sub3A_384 : vector<16xf32>
      %add3A_388 = arith.addf %add3A_377, %mul3A_387 : vector<16xf32>
      %mul3A_389 = arith.mulf %sub3A_386, %sub3A_386 : vector<16xf32>
      %add3A_390 = arith.addf %add3A_379, %mul3A_389 : vector<16xf32>
      %broadcast_in_dim3A_391 = arith.constant 30 : i32
      %broadcast_in_dim3A_392 = vector.broadcast %broadcast_in_dim3A_391 : i32 to vector<16xi32>
      %gather3A_393 = tpu.vector_load_idx %arg10[%add3A_58, %broadcast_in_dim3A_392] : memref<128x32xf32, #tpu.memory_space<vmem>>[vector<16xi32>, vector<16xi32>], vector<16xf32>,
      %gather3A_394 = tpu.vector_load_idx %arg11[%add3A_58, %broadcast_in_dim3A_392] : memref<128x32xf32, #tpu.memory_space<vmem>>[vector<16xi32>, vector<16xi32>], vector<16xf32>,
      %sub3A_395 = arith.subf %gather3A_393, %gather3A_394 : vector<16xf32>
      %gather3A_396 = tpu.vector_load_idx %arg12[%add3A_58, %broadcast_in_dim3A_392] : memref<128x32xf32, #tpu.memory_space<vmem>>[vector<16xi32>, vector<16xi32>], vector<16xf32>,
      %sub3A_397 = arith.subf %gather3A_393, %gather3A_396 : vector<16xf32>
      %mul3A_398 = arith.mulf %sub3A_395, %sub3A_395 : vector<16xf32>
      %add3A_399 = arith.addf %add3A_388, %mul3A_398 : vector<16xf32>
      %mul3A_400 = arith.mulf %sub3A_397, %sub3A_397 : vector<16xf32>
      %add3A_401 = arith.addf %add3A_390, %mul3A_400 : vector<16xf32>
      %broadcast_in_dim3A_402 = arith.constant 31 : i32
      %broadcast_in_dim3A_403 = vector.broadcast %broadcast_in_dim3A_402 : i32 to vector<16xi32>
      %gather3A_404 = tpu.vector_load_idx %arg10[%add3A_58, %broadcast_in_dim3A_403] : memref<128x32xf32, #tpu.memory_space<vmem>>[vector<16xi32>, vector<16xi32>], vector<16xf32>,
      %gather3A_405 = tpu.vector_load_idx %arg11[%add3A_58, %broadcast_in_dim3A_403] : memref<128x32xf32, #tpu.memory_space<vmem>>[vector<16xi32>, vector<16xi32>], vector<16xf32>,
      %sub3A_406 = arith.subf %gather3A_404, %gather3A_405 : vector<16xf32>
      %gather3A_407 = tpu.vector_load_idx %arg12[%add3A_58, %broadcast_in_dim3A_403] : memref<128x32xf32, #tpu.memory_space<vmem>>[vector<16xi32>, vector<16xi32>], vector<16xf32>,
      %sub3A_408 = arith.subf %gather3A_404, %gather3A_407 : vector<16xf32>
      %mul3A_409 = arith.mulf %sub3A_406, %sub3A_406 : vector<16xf32>
      %add3A_410 = arith.addf %add3A_399, %mul3A_409 : vector<16xf32>
      %mul3A_411 = arith.mulf %sub3A_408, %sub3A_408 : vector<16xf32>
      %add3A_412 = arith.addf %add3A_401, %mul3A_411 : vector<16xf32>
      %mul3A_413 = arith.constant 16 : i32
      %mul3A_414 = arith.muli %scan3A_54, %mul3A_413 : i32
      %get3A_415 = arith.index_cast %mul3A_414 : i32 to index
      %get3A_416 = tpu.vector_load %arg8[%get3A_415] {strides = array<i32>} : memref<128xi32, #tpu.memory_space<vmem>>, vector<16xi32>,
      %mul3A_417 = arith.constant 16 : i32
      %mul3A_418 = arith.muli %scan3A_54, %mul3A_417 : i32
      %get3A_419 = arith.index_cast %mul3A_418 : i32 to index
      %get3A_420 = tpu.vector_load %arg9[%get3A_419] {strides = array<i32>} : memref<128xi32, #tpu.memory_space<vmem>>, vector<16xi32>,
      %lt3A = arith.cmpf olt, %add3A_412, %add3A_410 : vector<16xf32>
      %eq3A_421 = arith.cmpf oeq, %add3A_412, %add3A_410 : vector<16xf32>
      %lt3A_422 = arith.cmpi slt, %get3A_420, %get3A_416 : vector<16xi32>
      %and3A = arith.andi %eq3A_421, %lt3A_422 : vector<16xi1>
      %or3A = arith.ori %lt3A, %and3A : vector<16xi1>
      %select_n3A_423 = arith.select %or3A, %get3A_420, %get3A_416 : vector<16xi1>, vector<16xi32>
      %mul3A_424 = arith.constant 16 : i32
      %mul3A_425 = arith.muli %scan3A_54, %mul3A_424 : i32
      %swap3A_426 = arith.index_cast %mul3A_425 : i32 to index
      %swap3A_427 = tpu.vector_load %arg8[%swap3A_426] {strides = array<i32>} : memref<128xi32, #tpu.memory_space<vmem>>, vector<16xi32>,
      tpu.vector_store %arg8[%swap3A_426], %select_n3A_423 {strides = array<i32>} : memref<128xi32, #tpu.memory_space<vmem>>, vector<16xi32>,
      %get3A_428 = arith.constant 0 : index
      %get3A_429 = tpu.vector_load %arg14[%get3A_428] {strides = array<i32>} : memref<16xf32, #tpu.memory_space<vmem>>, vector<16xf32>,
      %select_n3A_430 = arith.select %or3A, %add3A_412, %add3A_410 : vector<16xi1>, vector<16xf32>
      %add3A_431 = arith.addf %get3A_429, %select_n3A_430 : vector<16xf32>
      %swap3A_432 = arith.constant 0 : index
      %swap3A_433 = tpu.vector_load %arg14[%swap3A_432] {strides = array<i32>} : memref<16xf32, #tpu.memory_space<vmem>>, vector<16xf32>,
      tpu.vector_store %arg14[%swap3A_432], %add3A_431 {strides = array<i32>} : memref<16xf32, #tpu.memory_space<vmem>>, vector<16xf32>,
    }
    %scan3A_37 = arith.constant 8 : i32
    %dma_start3A_38 = arith.constant 0 : i32
    %dma_start3A_39 = arith.constant 0 : i32
    %dma_start3A_40 = tpu.memref_slice %arg2[%dma_start3A_38, %dma_start3A_39] : memref<1024x32xf32, #tpu.memory_space<hbm>> -> memref<1024x32xf32, #tpu.memory_space<hbm>>
    tpu.enqueue_indirect_dma source(%dma_start3A_40 : memref<1024x32xf32, #tpu.memory_space<hbm>>) target(%arg13 : memref<128x32xf32, #tpu.memory_space<vmem>>) offsets(%arg8 : memref<128xi32, #tpu.memory_space<vmem>>) semaphore(%arg15 : memref<!tpu.dma_semaphore, #tpu.memory_space<semaphore_mem>>)
    %dma_wait3A_41 = arith.constant 0 : i32
    %dma_wait3A_42 = arith.constant 0 : i32
    %dma_wait3A_43 = tpu.memref_slice %arg2[%dma_wait3A_41, %dma_wait3A_42] : memref<1024x32xf32, #tpu.memory_space<hbm>> -> memref<1024x32xf32, #tpu.memory_space<hbm>>
    tpu.wait_indirect_dma semaphore(%arg15 : memref<!tpu.dma_semaphore, #tpu.memory_space<semaphore_mem>>) src(%dma_wait3A_43 : memref<1024x32xf32, #tpu.memory_space<hbm>>) dst(%arg13 : memref<128x32xf32, #tpu.memory_space<vmem>>)
    "tpu.region"() ({
      %run_scoped3A = tpu.sem_alloc : memref<!tpu.dma_semaphore, #tpu.memory_space<semaphore_mem>>
      %dma_start3A_54 = arith.constant 0 : i32
      %dma_start3A_55 = tpu.memref_slice %arg5[%mul3A_2, %dma_start3A_54] : memref<4096x32xf32, #tpu.memory_space<hbm>> -> memref<128x32xf32, #tpu.memory_space<hbm>>
      %dma_start3A_56 = arith.constant 0 : i32
      %dma_start3A_57 = tpu.memref_slice %arg5[%mul3A_2, %dma_start3A_56] : memref<4096x32xf32, #tpu.memory_space<hbm>> -> memref<128x32xf32, #tpu.memory_space<hbm>>
      tpu.enqueue_dma source(%arg13 : memref<128x32xf32, #tpu.memory_space<vmem>>) target(%dma_start3A_57 : memref<128x32xf32, #tpu.memory_space<hbm>>) target_semaphore(%run_scoped3A : memref<!tpu.dma_semaphore, #tpu.memory_space<semaphore_mem>>)
      %dma_wait3A_58 = arith.constant 0 : i32
      %dma_wait3A_59 = tpu.memref_slice %arg5[%mul3A_2, %dma_wait3A_58] : memref<4096x32xf32, #tpu.memory_space<hbm>> -> memref<128x32xf32, #tpu.memory_space<hbm>>
      %dma_wait3A_60 = arith.constant 0 : i32
      %dma_wait3A_61 = tpu.memref_slice %arg5[%mul3A_2, %dma_wait3A_60] : memref<4096x32xf32, #tpu.memory_space<hbm>> -> memref<128x32xf32, #tpu.memory_space<hbm>>
      tpu.wait_dma2 semaphore(%run_scoped3A : memref<!tpu.dma_semaphore, #tpu.memory_space<semaphore_mem>>) src(%arg13 : memref<128x32xf32, #tpu.memory_space<vmem>>) dst(%dma_wait3A_61 : memref<128x32xf32, #tpu.memory_space<hbm>>)
      tpu.yield
    }) : () -> ()
    %get3A = arith.constant 0 : index
    %get3A_44 = tpu.vector_load %arg14[%get3A] {strides = array<i32>} : memref<16xf32, #tpu.memory_space<vmem>>, vector<16xf32>,
    %reduce_sum3A = arith.constant true
    %reduce_sum3A_45 = vector.broadcast %reduce_sum3A : i1 to vector<16xi1>
    %reduce_sum3A_46 = tpu.scan <sum>, %get3A_44 masked %reduce_sum3A_45 : vector<16xf32>, vector<16xi1> -> vector<16xf32>
    %reduce_sum3A_47 = vector.extract %reduce_sum3A_46[15] : f32 from vector<16xf32>
    %eq3A = arith.constant 0 : i32
    %eq3A_48 = vector.broadcast %eq3A : i32 to vector<16xi32>
    %eq3A_49 = arith.cmpi eq, %iota3A, %eq3A_48 : vector<16xi32>
    %jit3A = arith.constant 0.000000e+00 : f32
    %broadcast_in_dim3A_50 = vector.broadcast %reduce_sum3A_47 : f32 to vector<16xf32>
    %broadcast_in_dim3A_51 = vector.broadcast %jit3A : f32 to vector<16xf32>
    %select_n3A = arith.select %eq3A_49, %broadcast_in_dim3A_50, %broadcast_in_dim3A_51 : vector<16xi1>, vector<16xf32>
    %swap3A_52 = arith.constant 0 : index
    %swap3A_53 = tpu.vector_load %arg14[%swap3A_52] {strides = array<i32>} : memref<16xf32, #tpu.memory_space<vmem>>, vector<16xf32>,
    tpu.vector_store %arg14[%swap3A_52], %select_n3A {strides = array<i32>} : memref<16xf32, #tpu.memory_space<vmem>>, vector<16xf32>,
    "tpu.region"() ({
      %run_scoped3A = tpu.sem_alloc : memref<!tpu.dma_semaphore, #tpu.memory_space<semaphore_mem>>
      %dma_start3A_54 = arith.constant 0 : i32
      %dma_start3A_55 = tpu.memref_slice %arg6[%add3A, %dma_start3A_54] : memref<32x16xf32, #tpu.memory_space<hbm>> -> memref<1x16xf32, #tpu.memory_space<hbm>>
      %dma_start3A_56 = tpu.memref_squeeze %dma_start3A_55 : memref<1x16xf32, #tpu.memory_space<hbm>> -> memref<16xf32, #tpu.memory_space<hbm>>
      %dma_start3A_57 = arith.constant 0 : i32
      %dma_start3A_58 = tpu.memref_slice %arg6[%add3A, %dma_start3A_57] : memref<32x16xf32, #tpu.memory_space<hbm>> -> memref<1x16xf32, #tpu.memory_space<hbm>>
      %dma_start3A_59 = tpu.memref_squeeze %dma_start3A_58 : memref<1x16xf32, #tpu.memory_space<hbm>> -> memref<16xf32, #tpu.memory_space<hbm>>
      tpu.enqueue_dma source(%arg14 : memref<16xf32, #tpu.memory_space<vmem>>) target(%dma_start3A_59 : memref<16xf32, #tpu.memory_space<hbm>>) target_semaphore(%run_scoped3A : memref<!tpu.dma_semaphore, #tpu.memory_space<semaphore_mem>>)
      %dma_wait3A_60 = arith.constant 0 : i32
      %dma_wait3A_61 = tpu.memref_slice %arg6[%add3A, %dma_wait3A_60] : memref<32x16xf32, #tpu.memory_space<hbm>> -> memref<1x16xf32, #tpu.memory_space<hbm>>
      %dma_wait3A_62 = tpu.memref_squeeze %dma_wait3A_61 : memref<1x16xf32, #tpu.memory_space<hbm>> -> memref<16xf32, #tpu.memory_space<hbm>>
      %dma_wait3A_63 = arith.constant 0 : i32
      %dma_wait3A_64 = tpu.memref_slice %arg6[%add3A, %dma_wait3A_63] : memref<32x16xf32, #tpu.memory_space<hbm>> -> memref<1x16xf32, #tpu.memory_space<hbm>>
      %dma_wait3A_65 = tpu.memref_squeeze %dma_wait3A_64 : memref<1x16xf32, #tpu.memory_space<hbm>> -> memref<16xf32, #tpu.memory_space<hbm>>
      tpu.wait_dma2 semaphore(%run_scoped3A : memref<!tpu.dma_semaphore, #tpu.memory_space<semaphore_mem>>) src(%arg14 : memref<16xf32, #tpu.memory_space<vmem>>) dst(%dma_wait3A_65 : memref<16xf32, #tpu.memory_space<hbm>>)
      tpu.yield
    }) : () -> ()
    return
  }
}

module attributes {stable_mosaic.version = 14 : i64} {
  func.func @_topk_body(%arg0: i32, %arg1: memref<2048x32xf32, #tpu.memory_space<vmem>>, %arg2: memref<1024x32xf32, #tpu.memory_space<vmem>>, %arg3: memref<1x1x2048xi32, #tpu.memory_space<vmem>>) attributes {dimension_semantics = [#tpu.dimension_semantics<arbitrary>], iteration_bounds = array<i64: 2>, scalar_prefetch = 0 : i64, scratch_operands = 0 : i64, tpu.core_type = #tpu.core_type<tc>, window_params = [{transform_indices = @transform_0, window_bounds = array<i64: 2048, 32>}, {pipeline_mode = #tpu.pipeline_mode<synchronous>, transform_indices = @transform_1, window_bounds = array<i64: 1024, 32>}, {transform_indices = @transform_2, window_bounds = array<i64: 1, 1, 2048>}]} {
    %get3A = arith.constant 0 : index
    %get3A_0 = arith.constant 0 : index
    %get3A_1 = vector.load %arg1[%get3A, %get3A_0] : memref<2048x32xf32, #tpu.memory_space<vmem>>, vector<2048x32xf32>
    %get3A_2 = arith.constant 0 : index
    %get3A_3 = arith.constant 0 : index
    %get3A_4 = vector.load %arg2[%get3A_2, %get3A_3] : memref<1024x32xf32, #tpu.memory_space<vmem>>, vector<1024x32xf32>
    %transpose3A = tpu.transpose %get3A_4, [1, 0] : vector<1024x32xf32> -> vector<32x1024xf32>
    %mul3A = arith.mulf %transpose3A, %transpose3A : vector<32x1024xf32>
    %reduce_sum3A = arith.constant dense<0.000000e+00> : vector<1024xf32>
    %reduce_sum3A_5 = vector.multi_reduction <add>, %mul3A, %reduce_sum3A [0] : vector<32x1024xf32> to vector<1024xf32>
    %broadcast_in_dim3A = vector.shape_cast %reduce_sum3A_5 : vector<1024xf32> to vector<1x1024xf32>
    %convert_element_type3A = arith.truncf %get3A_1 : vector<2048x32xf32> to vector<2048x32xbf16>
    %convert_element_type3A_6 = arith.extf %convert_element_type3A : vector<2048x32xbf16> to vector<2048x32xf32>
    %sub3A = arith.subf %get3A_1, %convert_element_type3A_6 : vector<2048x32xf32>
    %convert_element_type3A_7 = arith.truncf %sub3A : vector<2048x32xf32> to vector<2048x32xbf16>
    %convert_element_type3A_8 = arith.truncf %transpose3A : vector<32x1024xf32> to vector<32x1024xbf16>
    %convert_element_type3A_9 = arith.extf %convert_element_type3A_8 : vector<32x1024xbf16> to vector<32x1024xf32>
    %sub3A_10 = arith.subf %transpose3A, %convert_element_type3A_9 : vector<32x1024xf32>
    %convert_element_type3A_11 = arith.truncf %sub3A_10 : vector<32x1024xf32> to vector<32x1024xbf16>
    %dot_general3A = arith.constant dense<0.000000e+00> : vector<2048x1024xf32>
    %dot_general3A_12 = tpu.matmul %convert_element_type3A, %convert_element_type3A_8, %dot_general3A {dimension_numbers = #tpu.dot_dimension_numbers<[1], [0], [0], [1], [0, 0, 1, 1], [], []>, transpose_lhs_hint = false} : vector<2048x32xbf16>, vector<32x1024xbf16>, vector<2048x1024xf32> -> vector<2048x1024xf32>
    %dot_general3A_13 = arith.constant dense<0.000000e+00> : vector<2048x1024xf32>
    %dot_general3A_14 = tpu.matmul %convert_element_type3A, %convert_element_type3A_11, %dot_general3A_13 {dimension_numbers = #tpu.dot_dimension_numbers<[1], [0], [0], [1], [0, 0, 1, 1], [], []>, transpose_lhs_hint = false} : vector<2048x32xbf16>, vector<32x1024xbf16>, vector<2048x1024xf32> -> vector<2048x1024xf32>
    %dot_general3A_15 = arith.constant dense<0.000000e+00> : vector<2048x1024xf32>
    %dot_general3A_16 = tpu.matmul %convert_element_type3A_7, %convert_element_type3A_8, %dot_general3A_15 {dimension_numbers = #tpu.dot_dimension_numbers<[1], [0], [0], [1], [0, 0, 1, 1], [], []>, transpose_lhs_hint = false} : vector<2048x32xbf16>, vector<32x1024xbf16>, vector<2048x1024xf32> -> vector<2048x1024xf32>
    %add3A = arith.addf %dot_general3A_14, %dot_general3A_16 : vector<2048x1024xf32>
    %add3A_17 = arith.addf %dot_general3A_12, %add3A : vector<2048x1024xf32>
    %mul3A_18 = arith.constant 2.000000e+00 : f32
    %mul3A_19 = vector.broadcast %mul3A_18 : f32 to vector<2048x1024xf32>
    %mul3A_20 = arith.mulf %mul3A_19, %add3A_17 : vector<2048x1024xf32>
    %sub3A_21 = vector.broadcast %broadcast_in_dim3A : vector<1x1024xf32> to vector<2048x1024xf32>
    %sub3A_22 = arith.subf %sub3A_21, %mul3A_20 : vector<2048x1024xf32>
    %iota3A = tpu.iota {dimensions = array<i32: 1>} : vector<2048x1024xi32>
    %reduce_min3A = arith.constant dense<0x7F800000> : vector<2048xf32>
    %reduce_min3A_23 = vector.multi_reduction <minimumf>, %sub3A_22, %reduce_min3A [1] : vector<2048x1024xf32> to vector<2048xf32>
    %broadcast_in_dim3A_24 = vector.shape_cast %reduce_min3A_23 : vector<2048xf32> to vector<2048x1xf32>
    %eq3A = vector.broadcast %broadcast_in_dim3A_24 : vector<2048x1xf32> to vector<2048x1024xf32>
    %eq3A_25 = arith.cmpf oeq, %sub3A_22, %eq3A : vector<2048x1024xf32>
    %jit3A = arith.constant 1024 : i32
    %broadcast_in_dim3A_26 = vector.broadcast %jit3A : i32 to vector<2048x1024xi32>
    %select_n3A = arith.select %eq3A_25, %iota3A, %broadcast_in_dim3A_26 : vector<2048x1024xi1>, vector<2048x1024xi32>
    %reduce_min3A_27 = arith.constant dense<2147483647> : vector<2048xi32>
    %reduce_min3A_28 = vector.multi_reduction <minsi>, %select_n3A, %reduce_min3A_27 [1] : vector<2048x1024xi32> to vector<2048xi32>
    %broadcast_in_dim3A_29 = vector.shape_cast %reduce_min3A_28 : vector<2048xi32> to vector<2048x1xi32>
    %eq3A_30 = vector.broadcast %broadcast_in_dim3A_29 : vector<2048x1xi32> to vector<2048x1024xi32>
    %eq3A_31 = arith.cmpi eq, %iota3A, %eq3A_30 : vector<2048x1024xi32>
    %jit3A_32 = arith.constant 0x7F800000 : f32
    %broadcast_in_dim3A_33 = vector.broadcast %jit3A_32 : f32 to vector<2048x1024xf32>
    %select_n3A_34 = arith.select %eq3A_31, %broadcast_in_dim3A_33, %sub3A_22 : vector<2048x1024xi1>, vector<2048x1024xf32>
    %reduce_min3A_35 = arith.constant dense<0x7F800000> : vector<2048xf32>
    %reduce_min3A_36 = vector.multi_reduction <minimumf>, %select_n3A_34, %reduce_min3A_35 [1] : vector<2048x1024xf32> to vector<2048xf32>
    %broadcast_in_dim3A_37 = vector.shape_cast %reduce_min3A_36 : vector<2048xf32> to vector<2048x1xf32>
    %eq3A_38 = vector.broadcast %broadcast_in_dim3A_37 : vector<2048x1xf32> to vector<2048x1024xf32>
    %eq3A_39 = arith.cmpf oeq, %select_n3A_34, %eq3A_38 : vector<2048x1024xf32>
    %jit3A_40 = arith.constant 1024 : i32
    %broadcast_in_dim3A_41 = vector.broadcast %jit3A_40 : i32 to vector<2048x1024xi32>
    %select_n3A_42 = arith.select %eq3A_39, %iota3A, %broadcast_in_dim3A_41 : vector<2048x1024xi1>, vector<2048x1024xi32>
    %reduce_min3A_43 = arith.constant dense<2147483647> : vector<2048xi32>
    %reduce_min3A_44 = vector.multi_reduction <minsi>, %select_n3A_42, %reduce_min3A_43 [1] : vector<2048x1024xi32> to vector<2048xi32>
    %broadcast_in_dim3A_45 = vector.shape_cast %reduce_min3A_44 : vector<2048xi32> to vector<2048x1xi32>
    %shift_left3A = arith.constant 10 : i32
    %shift_left3A_46 = vector.broadcast %shift_left3A : i32 to vector<2048x1xi32>
    %shift_left3A_47 = arith.shli %broadcast_in_dim3A_45, %shift_left3A_46 : vector<2048x1xi32>
    %add3A_48 = arith.addi %broadcast_in_dim3A_29, %shift_left3A_47 : vector<2048x1xi32>
    %squeeze3A = vector.shape_cast %add3A_48 : vector<2048x1xi32> to vector<2048xi32>
    %swap3A = arith.constant 0 : index
    %swap3A_49 = arith.constant 0 : index
    %swap3A_50 = arith.constant 0 : index
    %swap3A_51 = vector.load %arg3[%swap3A, %swap3A_49, %swap3A_50] : memref<1x1x2048xi32, #tpu.memory_space<vmem>>, vector<1x1x2048xi32>
    %swap3A_52 = vector.shape_cast %swap3A_51 : vector<1x1x2048xi32> to vector<2048xi32>
    %swap3A_53 = vector.shape_cast %squeeze3A : vector<2048xi32> to vector<1x1x2048xi32>
    tpu.vector_store %arg3[%swap3A, %swap3A_49, %swap3A_50], %swap3A_53 {strides = array<i32>} : memref<1x1x2048xi32, #tpu.memory_space<vmem>>, vector<1x1x2048xi32>,
    return
  }
  func.func @transform_0(%arg0: i32) -> (i32, i32) {
    %c0_i32 = arith.constant 0 : i32
    %c0_i32_0 = arith.constant 0 : i32
    return %arg0, %c0_i32 : i32, i32
  }
  func.func @transform_1(%arg0: i32) -> (i32, i32) {
    %c0_i32 = arith.constant 0 : i32
    %c0_i32_0 = arith.constant 0 : i32
    %c0_i32_1 = arith.constant 0 : i32
    return %c0_i32, %c0_i32_0 : i32, i32
  }
  func.func @transform_2(%arg0: i32) -> (i32, i32, i32) {
    %c0_i32 = arith.constant 0 : i32
    %c0_i32_0 = arith.constant 0 : i32
    %c0_i32_1 = arith.constant 0 : i32
    return %arg0, %c0_i32, %c0_i32_0 : i32, i32, i32
  }
}

</mosaic_0001>

<sc_bundles>
// kernel: kernel.4.cloned.1.call-start
scs
__scs_entry_jumppad:
0x0: {  	(pc) =	sbr.rel $0x88, $3  }
0x1: {  	(tag) =	ssettag $0x0;
	lr =	simm.s32 $0x1  }
0x2: {  	[smem:$0x3F9F] =	sst lr;
	_ =	strace $0xD0000000  }
0x3: {  	_ = 	snop  }
0x4: {  	_ = 	snop  }
0x5: {  	_ = 	snop  }
0x6: {  	_ = 	snop  }
0x7: {  	_ = 	snop  }
__scs_overlays_trampoline_lowered:
0x8: {  	[smem:$0x3FAE] =	sst s0  }
0x9: {  	[smem:$0x3FAF] =	sst s1  }
0xa: {  	[smem:$0x3FB0] =	sst s2  }
0xb: {  	[smem:$0x3FB1] =	sst s3  }
0xc: {  	[smem:$0x3FB2] =	sst s4  }
0xd: {  	[smem:$0x3FB3] =	sst s5  }
0xe: {  	[smem:$0x3FB4] =	sst s6  }
0xf: {  	[smem:$0x3FB5] =	sst s7  }
0x10: {  	[smem:$0x3FB6] =	sst s8  }
0x11: {  	[smem:$0x3FB7] =	sst s9;
	s0 =	simm.s32 @!p0 $0x0  }
0x12: {  	s1 =	sld [smem:$0x3F9D];
	s0 =	simm.s32 @p0 $0x1  }
0x13: {  	[smem:$0x3FB8] =	sst s0;
	s0 =	simm.s32 @!p1 $0x0  }
0x14: {  	s2 =	sld [smem:$0x3F9C];
	s0 =	simm.s32 @p1 $0x1  }
0x15: {  	[smem:$0x3FB9] =	sst s0;
	s0 =	simm.s32 @!p2 $0x0  }
0x16: {  	s3 =	sld [smem:$0x3FDB];
	s0 =	simm.s32 @p2 $0x1  }
0x17: {  	s4 =	simm.s32 $0x1BF5;
	[smem:$0x3FBB] =	sst s0  }
0x18: {  	s0 =	sld [smem:$0x3F9E];
	_ =	swait.ge [sflag:s4], $0x0  }
0x19: {  	s7 =	sld [smem:$0x3F9F]  }
0x1a: {  	s8 =	sadd.s32 $0xFFFFE003, lr  }
0x1b: {  	s9 =	sadd.s32 $0xFFFFFEF7, lr;
	s5 =	simm.s32 $0xFFFFFFFF;
	p2 =	slt.u32 s8, $0xFFFFF086  }
0x1c: {  	p1 =	slt.u32 s9, $0xF7A;
	s5 =	simm.s32 @!p2 $0x0  }
0x1d: {  	s5 =	simm.s32 @p1 $0x1;
	p0 =	seq.s32 s7, s2  }
0x1e: {  	s7 =	smul.u32 @!p0 $0xF7A, s2;
	p2 =	seq.s32 @!p0 s5, $0x0  }
0x1f: {  	s9 =	smul.u32 $0xF7A, s1;
	s8 =	simm.s32 @!p0 $0x1BF5;
	p2 =	por !p2, p0  }
0x20: {  	[sflag:s8] =	ssyncset.s32 @!p0 $0xFFFFF086;
	s6 =	sadd.s32 @!p0 s3, s7;
	s7 =	simm.s32 @!p0 $0x108  }
0x21: {  	s3 =	sadd.s32 s3, s9;
	s6 =	sadd.s32 @!p0 $0x88, s6;
	s7 =	simm.s32 @p2 $0x1082  }
0x22: {  	[simem:s7], [sflag:s8] =	dma.local @!p0 [hbm:s6], $0xF7A  }
0x23: {  	s9 =	sor.u32 $0xD0000000, s2;
	s6 =	simm.s32 $0x108;
	_ =	swait.ge @!p0 [sflag:s8], $0x0  }
0x24: {  	s3 =	sadd.s32 $0x88, s3;
	s6 =	simm.s32 @!p1 $0x1082;
	[sflag:s4] =	ssyncset.s32 $0xFFFFF086  }
0x25: {  	[simem:s6], [sflag:s4] =	dma.local [hbm:s3], $0xF7A  }
0x26: {  	[smem:$0x3F9F] =	sst s1;
	(tag) =	ssettag s2;
	_ =	strace s9  }
0x27: {  	s1 =	sld [smem:$0x3FAF]  }
0x28: {  	s2 =	sld [smem:$0x3FB0]  }
0x29: {  	s4 =	sld [smem:$0x3FB2]  }
0x2a: {  	p0 =	seq.s32 s5, $0x0;
	s5 =	sld [smem:$0x3FB3]  }
0x2b: {  	s6 =	sld [smem:$0x3FB4]  }
0x2c: {  	s7 =	sld [smem:$0x3FB5]  }
0x2d: {  	s3 =	simm.s32 $0x108;
	s8 =	sld [smem:$0x3FB6]  }
0x2e: {  	s3 =	simm.s32 @!p0 $0x1082;
	s9 =	sld [smem:$0x3FB7]  }
0x2f: {  	lr =	sadd.s32 s0, s3;
	s0 =	sld [smem:$0x3FAE]  }
0x30: {  	s3 =	sld [smem:$0x3FB1]  }
0x31: {  	[smem:$0x3FBA] =	sst s10  }
0x32: {  	s10 =	sld [smem:$0x3FB8];
	_ =	sdelay $0x3  }
0x33: {  	p0 =	seq.s32 s10, $0x1;
	s10 =	sld [smem:$0x3FBA];
	_ =	sdelay $0x3  }
0x34: {  	[smem:$0x3FBA] =	sst s10  }
0x35: {  	s10 =	sld [smem:$0x3FB9];
	_ =	sdelay $0x3  }
0x36: {  	p1 =	seq.s32 s10, $0x1;
	s10 =	sld [smem:$0x3FBA];
	_ =	sdelay $0x3  }
0x37: {  	[smem:$0x3FBA] =	sst s10  }
0x38: {  	s10 =	sld [smem:$0x3FBB]  }
0x39: {  	_ = 	snop;
	(pc) =	sbr.ind lr, $3  }
0x3a: {  	_ = 	snop  }
0x3b: {  	_ = 	snop  }
0x3c: {  	p2 =	seq.s32 s10, $0x1;
	s10 =	sld [smem:$0x3FBA]  }
0x3d: {  	_ =	shalt  }
0x3e: {  	_ =	shalt  }
0x3f: {  	_ =	shalt  }
0x40: {  	_ =	shalt  }
0x41: {  	_ =	shalt  }
0x42: {  	_ =	shalt  }
0x43: {  	_ =	shalt  }
0x44: {  	_ =	shalt  }
0x45: {  	_ =	shalt  }
0x46: {  	_ =	shalt  }
0x47: {  	_ =	shalt  }
0x48: {  	_ =	shalt  }
0x49: {  	_ =	shalt  }
0x4a: {  	_ =	shalt  }
0x4b: {  	_ =	shalt  }
0x4c: {  	_ =	shalt  }
0x4d: {  	_ =	shalt  }
0x4e: {  	_ =	shalt  }
0x4f: {  	_ =	shalt  }
0x50: {  	_ =	shalt  }
0x51: {  	_ =	shalt  }
0x52: {  	_ =	shalt  }
0x53: {  	_ =	shalt  }
0x54: {  	_ =	shalt  }
0x55: {  	_ =	shalt  }
0x56: {  	_ =	shalt  }
0x57: {  	_ =	shalt  }
0x58: {  	_ =	shalt  }
0x59: {  	_ =	shalt  }
0x5a: {  	_ =	shalt  }
0x5b: {  	_ =	shalt  }
0x5c: {  	_ =	shalt  }
0x5d: {  	_ =	shalt  }
0x5e: {  	_ =	shalt  }
0x5f: {  	_ =	shalt  }
0x60: {  	_ =	shalt  }
0x61: {  	_ =	shalt  }
0x62: {  	_ =	shalt  }
0x63: {  	_ =	shalt  }
0x64: {  	_ =	shalt  }
0x65: {  	_ =	shalt  }
0x66: {  	_ =	shalt  }
0x67: {  	_ =	shalt  }
0x68: {  	_ =	shalt  }
0x69: {  	_ =	shalt  }
0x6a: {  	_ =	shalt  }
0x6b: {  	_ =	shalt  }
0x6c: {  	_ =	shalt  }
0x6d: {  	_ =	shalt  }
0x6e: {  	_ =	shalt  }
0x6f: {  	_ =	shalt  }
0x70: {  	_ =	shalt  }
0x71: {  	_ =	shalt  }
0x72: {  	_ =	shalt  }
0x73: {  	_ =	shalt  }
0x74: {  	_ =	shalt  }
0x75: {  	_ =	shalt  }
0x76: {  	_ =	shalt  }
0x77: {  	_ =	shalt  }
0x78: {  	_ =	shalt  }
0x79: {  	_ =	shalt  }
0x7a: {  	_ =	shalt  }
0x7b: {  	_ =	shalt  }
0x7c: {  	_ =	shalt  }
0x7d: {  	_ =	shalt  }
0x7e: {  	_ =	shalt  }
0x7f: {  	_ =	shalt  }
0x80: {  	_ =	shalt  }
0x81: {  	_ =	shalt  }
0x82: {  	_ =	shalt  }
0x83: {  	_ =	shalt  }
0x84: {  	_ =	shalt  }
0x85: {  	_ =	shalt  }
0x86: {  	_ =	shalt  }
0x87: {  	_ =	shalt  }
.Lfunc_end0:
.L_simem_size_0:
called_computation_lowered:
.L_overlay_start_0:
0x88: {  	s2 =	sld [smem:$0x3FD9]  }
0x89: {  	s3 =	sld [smem:$0x3FFE];
	_ =	sdelay $0x1  }
0x8a: {  	s1 =	srdreg.scid  }
0x8b: {  	s0 =	sand.u32 $0x1, s1  }
0x8c: {  	s14 =	sshll.u32 s0, $0xA;
	s2 =	sadd.s32 s3, s2  }
0x8d: {  	s2 =	sadd.s32 s2, s14  }
0x8e: {  	[smem:$0x3FC6] =	sst s2  }
0x8f: {  	_ = 	snop  }
0x90: {  	s2 =	sld [smem:$0x3FD0];
	_ =	sdelay $0x2  }
0x91: {  	s15 =	simm.s32 $0xA;
	s4 =	simm.s32 $0x10  }
0x92: {  	[smem:s4], [sflag:s15] =	dma.local [hbm:s2], $0x1  }
0x93: {  	_ =	swait.eq [sflag:s15], $0x1  }
0x94: {  	[sflag:s15] =	ssyncset.done $0x0  }
0x95: {  	[sflag:s15] =	ssyncadd.s32 $0xFFFFFFFF  }
0x96: {  	s16 =	sld [smem:$0x10];
	(tm) =	ssettm $0x1  }
0x97: {  	s17 =	sld [smem:$0x3FFB];
	_ =	sdelay $0x3  }
0x98: {  	_ =	strace s17  }
0x99: {  	s3 =	sld [smem:$0x3FFC];
	_ =	sdelay $0x3  }
0x9a: {  	_ =	strace s3  }
0x9b: {  	s3 =	sld [smem:$0x3FFD];
	_ =	sdelay $0x3  }
0x9c: {  	_ =	strace s3  }
0x9d: {  	_ =	strace $0x8FFFFFFF  }
0x9e: {  	s18 =	sld [smem:$0x3FDB];
	_ =	sdelay $0x1  }
0x9f: {  	s19 =	simm.s32 $_scs_section_size  }
0xa0: {  	s5 =	simm.s32 $_size__tile_overlayer_lowered;
	s6 =	simm.s32 $_tile_overlayer_lowered  }
0xa1: {  	s22 =	simm.s32 $0x1BFF;
	s21 =	sshll.u32 s6, $0x1;
	s3 =	sadd.s32 s19, s18  }
0xa2: {  	s7 =	simm.s32 $0x0;
	s20 =	sshll.u32 s5, $0x1;
	s5 =	sadd.s32 s21, s3  }
0xa3: {  	[timem:s7], [sflag:s22] =	dma.local [hbm:s5], s20  }
0xa4: {  	_ =	swait.ge [sflag:s22], s20  }
0xa5: {  	s4 =	ssub.s32 $0x0, s20;
	[sflag:s22] =	ssyncset.done $0x0  }
0xa6: {  	[sflag:s22] =	ssyncadd.s32 s4;
	_ =	sdelay $0x1  }
0xa7: {  	s23 =	simm.s32 $0x1B8B  }
0xa8: {  	_ =	swait.ge [sflag:s23], $0x1  }
0xa9: {  	[sflag:s23] =	ssyncset.done $0x0  }
0xaa: {  	s25 =	simm.s32 $0x1B8E;
	s24 =	sld [smem:$0x3FFE];
	[sflag:s23] =	ssyncadd.s32 $0xFFFFFFFF  }
0xab: {  	s26 =	simm.s32 $execute0_lowered;
	[smem:$0x3FD2] =	sst s25  }
0xac: {  	s5 =	sshll.u32 s26, $0x1;
	_ =	strace $0x80000046;
	[dreg:$0x1] =	wrdreg $0xFFFFFFFF  }
0xad: {  	s28 =	simm.s32 $_size_execute0_lowered;
	s3 =	sadd.s32 s3, s5;
	[dreg:$0x0] =	wrdreg $0x0  }
0xae: {  	s5 =	sshll.u32 s28, $0x1;
	[dreg:$0x2] =	wrdreg s3  }
0xaf: {  	[dreg:$0x3] =	wrdreg s5  }
0xb0: {  	[dreg:$0x4] =	wrdreg $0xC0  }
0xb1: {  	_ =	task [dreg:s7], $0x5FFFF  }
0xb2: {  	[dreg:$0x1] =	wrdreg $0xFFFFFFFF  }
0xb3: {  	[dreg:$0x0] =	wrdreg $0x60  }
0xb4: {  	[dreg:$0x2] =	wrdreg s24  }
0xb5: {  	[dreg:$0x3] =	wrdreg s16  }
0xb6: {  	[dreg:$0x4] =	wrdreg $0x9  }
0xb7: {  	_ =	task.clear_ibuf [dreg:s7], $0x5FFFF;
	_ =	strace $0x90000046  }
0xb8: {  	s29 =	simm.s32 $0x9;
	_ =	strace $0x80000048  }
0xb9: {  	_ =	swait.ge [sflag:s29], $0x1  }
0xba: {  	[sflag:s29] =	ssyncadd.s32 $0xFFFFFFFF  }
0xbb: {  	_ =	strace $0x90000048  }
0xbc: {  	_ =	sfence  }
0xbd: {  	s30 =	sld [smem:$0x0];
	_ =	sdelay $0x2  }
0xbe: {  	s31 =	sshll.u32 s1, $0xD;
	s1 =	sshrl.u32 s1, $0x2  }
0xbf: {  	s3 =	sand.u32 $0x4000, s31;
	s1 =	sadd.s32 s1, s30  }
0xc0: {  	s0 =	sor.u32 s3, s0;
	s1 =	sshll.u32 s1, $0x11  }
0xc1: {  	s0 =	sor.u32 s1, s0  }
0xc2: {  	s0 =	sadd.s32 $0x8F2B, s0  }
0xc3: {  	[sflag:s0] =	ssyncadd.remote.s32 $0x1  }
0xc4: {  	_ =	sfence.sel $0xFFFF  }
0xc5: {  	[dreg:$0x0] =	wrdreg $0xFFFFFFFF;
	(pc) =	sbr.abs _section_cstart, $3  }
0xc6: {  	[dreg:$0x1] =	wrdreg $0xFFFFFFFF  }
0xc7: {  	_ =	task.clear_ibuf [dreg:s7], $0x2FFFF;
	_ =	strace $0x9FFFFFFF  }
0xc8: {  	(tm) =	ssettm $0x7FFFFFFF  }
0xc9: {  	_ =	shalt  }
tec
execute0_lowered:
.L_overlay_start_1:
0x0: {  	(tag) =	ssettag $0x1  }
0x1: {  	s4 =	rddreg [dreg:$0x0];
	s1 =	srdreg.scid  }
0x2: {  	s0 =	stileid.u32;
	s5 =	rddreg [dreg:$0x1];
	s2 =	simm.s32 $0x0  }
0x3: {  	s12 =	simm.s32 $0x2180;
	s13 =	simm.s32 $0x80;
	s14 =	simm.s32 $0x3180  }
0x4: {  	s15 =	simm.s32 $0x2;
	s16 =	simm.s32 $0x4180;
	s17 =	simm.s32 $0x0  }
0x5: {  	s6 =	sand.u32 $0x1, s1;
	s3 =	sshll.u32 s0, $0x1;
	[smem:$0x7FF] =	sst s2  }
0x6: {  	s1 =	rddreg [dreg:$0x2];
	s7 =	sor.u32 s6, s3;
	_ =	strace $0x80000047  }
0x7: {  	s3 =	sadd.s32 $0x600, s4;
	s6 =	ssub.s32 $0x2, s6;
	s8 =	sshll.u32 s7, $0x4  }
0x8: {  	s9 =	sshll.u32 s7, $0x9;
	s7 =	sshll.u32 s7, $0x1;
	s31 =	sshrl.u32 s6, $0x1  }
0x9: {  	s8 =	sadd.s32 s8, s4;
	s10 =	sadd.s32 s9, s4;
	s7 =	sadd.s32 s7, s4  }
0xa: {  	s11 =	ssub.s32 s6, s31;
	s5 =	sadd.s32 s5, s9;
	s9 =	simm.s32 $0x180  }
0xb: {  	v1 =	vlaneseq.u32;
	s4 =	sadd.s32 $0x1600, s8;
	s6 =	sadd.s32 $0x1A00, s10;
	s7 =	sadd.s32 $0x1800, s7  }
0xc: {  	v0 =	vimm.f32 $0.0e+00;
	v1 =	vmul.u32 $0x20, v1;
	s8 =	smax.u32 s11, $0x1;
	s10 =	simm.s32 $0x1;
	s11 =	simm.s32 $0x1180  }
.LBB2_1:
0xd: {  	[tilespmem:s2], [sflag:$0x1] =	stream.linear.gather [hbm4b:s4+s2], $0x80, $0x38;
	[tilespmem:$0x4190] =	vst v63  }
0xe: {  	_ = 	snop  }
0xf: {  	[tilespmem:s9], [sflag:$0x1] =	stream.linear.gather [hbm4b:s5+s2], $0x1000, $0x38;
	[tilespmem:$0x4190] =	vst v63  }
0x10: {  	_ =	swait.ge [sflag:s10], $0x80  }
0x11: {  	[sflag:s10] =	ssyncset.done $0x0  }
0x12: {  	[sflag:s10] =	ssyncadd.s32 $0xFFFFFF80  }
0x13: {  	_ =	swait.ge [sflag:s10], $0x1000  }
0x14: {  	[sflag:s10] =	ssyncset.done $0x0  }
0x15: {  	[sflag:s10] =	ssyncadd.s32 $0xFFFFF000  }
0x16: {  	v2 =	vld [tilespmem:$0x0];
	_ =	sdelay $0x1  }
0x17: {  	v3 =	vld [tilespmem:$0x10];
	_ =	sdelay $0x1  }
0x18: {  	v4 =	vld [tilespmem:$0x20]  }
0x19: {  	v5 =	vand.u32 $0x3FF, v2  }
0x1a: {  	v61 =	vld [tilespmem:$0x30];
	v2 =	vshra.s32 v2, $0xA;
	[tilespmem:$0x80] =	vst v5  }
0x1b: {  	[tilespmem:$0x100] =	vst v2;
	v2 =	vand.u32 $0x3FF, v3  }
0x1c: {  	[tilespmem:$0x90] =	vst v2;
	v2 =	vshra.s32 v3, $0xA;
	v3 =	vld [tilespmem:$0x40]  }
0x1d: {  	[tilespmem:$0x110] =	vst v2;
	v2 =	vand.u32 $0x3FF, v4  }
0x1e: {  	v62 =	vld [tilespmem:$0x50];
	[tilespmem:$0xA0] =	vst v2;
	v2 =	vshra.s32 v4, $0xA  }
0x1f: {  	[tilespmem:$0x120] =	vst v2;
	v2 =	vand.u32 $0x3FF, v61  }
0x20: {  	v63 =	vld [tilespmem:$0x60];
	[tilespmem:$0xB0] =	vst v2;
	v2 =	vshra.s32 v61, $0xA  }
0x21: {  	[tilespmem:$0x130] =	vst v2;
	v2 =	vand.u32 $0x3FF, v3  }
0x22: {  	[tilespmem:$0xC0] =	vst v2;
	v2 =	vshra.s32 v3, $0xA;
	v3 =	vld [tilespmem:$0x70]  }
0x23: {  	[tilespmem:$0x140] =	vst v2;
	v2 =	vand.u32 $0x3FF, v62  }
0x24: {  	[tilespmem:$0xD0] =	vst v2;
	v2 =	vshra.s32 v62, $0xA  }
0x25: {  	[tilespmem:$0x150] =	vst v2;
	v2 =	vand.u32 $0x3FF, v63  }
0x26: {  	[tilespmem:$0xE0] =	vst v2;
	v2 =	vshra.s32 v63, $0xA  }
0x27: {  	[tilespmem:$0x160] =	vst v2;
	v2 =	vand.u32 $0x3FF, v3  }
0x28: {  	[tilespmem:$0xF0] =	vst v2;
	v2 =	vshra.s32 v3, $0xA  }
0x29: {  	[tilespmem:$0x170] =	vst v2  }
0x2a: {  	[tilespmem:s11], [sflag:$0x1] =	stream.indirect.gather [hbm4b:s3+s13], $0x20, s13, s13, $0xb8;
	[tilespmem:$0x4190] =	vst v63  }
0x2b: {  	_ =	swait.ge [sflag:s10], $0x1000  }
0x2c: {  	[sflag:s10] =	ssyncset.done $0x0  }
0x2d: {  	s18 =	simm.s32 $0x100;
	[sflag:s10] =	ssyncadd.s32 $0xFFFFF000  }
0x2e: {  	[tilespmem:s12], [sflag:$0x1] =	stream.indirect.gather [hbm4b:s3+s13], $0x20, s18, s13, $0xb8;
	[tilespmem:$0x4190] =	vst v63  }
0x2f: {  	_ =	swait.ge [sflag:s10], $0x1000  }
0x30: {  	[sflag:s10] =	ssyncset.done $0x0  }
0x31: {  	[sflag:s10] =	ssyncadd.s32 $0xFFFFF000  }
0x32: {  	s19 =	simm.s32 $0x80;
	s20 =	simm.s32 $0x0;
	[tilespmem:$0x4180] =	vst v0  }
.LBB2_2:
0x33: {  	v2 =	vmov s20  }
0x34: {  	v2 =	vshll.u32 v2, $0x5  }
0x35: {  	v2 =	vor.u32 v1, v2;
	_ =	sdelay $0x2  }
0x36: {  	v3 =	vor.u32 $0x1, v2;
	_ =	sdelay $0x1  }
0x37: {  	v4 =	vld.idx.msk [tilespmem:v2+s9+$0x0], $0xffff  }
0x38: {  	v6 =	vor.u32 $0x2, v2;
	v5 =	vld.idx.msk [tilespmem:v2+s11+$0x0], $0xffff  }
0x39: {  	v7 =	vld.idx.msk [tilespmem:v2+s12+$0x0], $0xffff  }
0x3a: {  	v8 =	vld.idx.msk [tilespmem:v3+s9+$0x0], $0xffff  }
0x3b: {  	v10 =	vor.u32 $0x3, v2;
	v9 =	vld.idx.msk [tilespmem:v3+s11+$0x0], $0xffff  }
0x3c: {  	v3 =	vld.idx.msk [tilespmem:v3+s12+$0x0], $0xffff  }
0x3d: {  	v11 =	vld.idx.msk [tilespmem:v6+s9+$0x0], $0xffff  }
0x3e: {  	v13 =	vor.u32 $0x4, v2;
	v12 =	vld.idx.msk [tilespmem:v6+s11+$0x0], $0xffff  }
0x3f: {  	v6 =	vld.idx.msk [tilespmem:v6+s12+$0x0], $0xffff  }
0x40: {  	v14 =	vld.idx.msk [tilespmem:v10+s9+$0x0], $0xffff  }
0x41: {  	v16 =	vor.u32 $0x5, v2;
	v15 =	vld.idx.msk [tilespmem:v10+s11+$0x0], $0xffff  }
0x42: {  	v10 =	vld.idx.msk [tilespmem:v10+s12+$0x0], $0xffff  }
0x43: {  	v50 =	vld.idx.msk [tilespmem:v13+s9+$0x0], $0xffff  }
0x44: {  	v17 =	vor.u32 $0x6, v2;
	v51 =	vld.idx.msk [tilespmem:v13+s11+$0x0], $0xffff  }
0x45: {  	v13 =	vld.idx.msk [tilespmem:v13+s12+$0x0], $0xffff  }
0x46: {  	v18 =	vld.idx.msk [tilespmem:v16+s9+$0x0], $0xffff  }
0x47: {  	v19 =	vor.u32 $0x7, v2;
	v52 =	vld.idx.msk [tilespmem:v16+s11+$0x0], $0xffff  }
0x48: {  	v53 =	vld.idx.msk [tilespmem:v16+s12+$0x0], $0xffff  }
0x49: {  	v55 =	vld.idx.msk [tilespmem:v17+s9+$0x0], $0xffff  }
0x4a: {  	v57 =	vor.u32 $0x8, v2;
	v56 =	vld.idx.msk [tilespmem:v17+s11+$0x0], $0xffff  }
0x4b: {  	v58 =	vld.idx.msk [tilespmem:v17+s12+$0x0], $0xffff  }
0x4c: {  	v60 =	vld.idx.msk [tilespmem:v19+s9+$0x0], $0xffff  }
0x4d: {  	v62 =	vor.u32 $0x9, v2;
	v61 =	vld.idx.msk [tilespmem:v19+s11+$0x0], $0xffff  }
0x4e: {  	v63 =	vld.idx.msk [tilespmem:v19+s12+$0x0], $0xffff  }
0x4f: {  	v21 =	vld.idx.msk [tilespmem:v57+s9+$0x0], $0xffff  }
0x50: {  	v23 =	vor.u32 $0xA, v2;
	v22 =	vld.idx.msk [tilespmem:v57+s11+$0x0], $0xffff  }
0x51: {  	v24 =	vld.idx.msk [tilespmem:v57+s12+$0x0], $0xffff  }
0x52: {  	v26 =	vld.idx.msk [tilespmem:v62+s9+$0x0], $0xffff  }
0x53: {  	v28 =	vor.u32 $0xB, v2;
	v27 =	vld.idx.msk [tilespmem:v62+s11+$0x0], $0xffff  }
0x54: {  	v29 =	vld.idx.msk [tilespmem:v62+s12+$0x0], $0xffff  }
0x55: {  	v31 =	vld.idx.msk [tilespmem:v23+s9+$0x0], $0xffff  }
0x56: {  	v33 =	vor.u32 $0xC, v2;
	v32 =	vld.idx.msk [tilespmem:v23+s11+$0x0], $0xffff  }
0x57: {  	v34 =	vld.idx.msk [tilespmem:v23+s12+$0x0], $0xffff  }
0x58: {  	v36 =	vld.idx.msk [tilespmem:v28+s9+$0x0], $0xffff  }
0x59: {  	v38 =	vor.u32 $0xD, v2;
	v37 =	vld.idx.msk [tilespmem:v28+s11+$0x0], $0xffff;
	v5 =	vsub.f32 v4, v5;
	v4 =	vsub.f32 v4, v7  }
0x5a: {  	v39 =	vld.idx.msk [tilespmem:v28+s12+$0x0], $0xffff;
	v9 =	vsub.f32 v8, v9;
	v3 =	vsub.f32 v8, v3  }
0x5b: {  	v43 =	vor.u32 $0xE, v2;
	v41 =	vld.idx.msk [tilespmem:v33+s9+$0x0], $0xffff;
	v12 =	vsub.f32 v11, v12;
	v6 =	vsub.f32 v11, v6  }
0x5c: {  	v48 =	vor.u32 $0xF, v2;
	v42 =	vld.idx.msk [tilespmem:v33+s11+$0x0], $0xffff;
	v15 =	vsub.f32 v14, v15;
	v10 =	vsub.f32 v14, v10  }
0x5d: {  	v44 =	vld.idx.msk [tilespmem:v33+s12+$0x0], $0xffff;
	v8 =	vsub.f32 v50, v51;
	v5 =	vmul.f32 v5, v5;
	v4 =	vmul.f32 v4, v4  }
0x5e: {  	v46 =	vld.idx.msk [tilespmem:v38+s9+$0x0], $0xffff;
	v7 =	vsub.f32 v50, v13;
	v9 =	vmul.f32 v9, v9;
	v3 =	vmul.f32 v3, v3  }
0x5f: {  	v47 =	vld.idx.msk [tilespmem:v38+s11+$0x0], $0xffff;
	v11 =	vsub.f32 v18, v52;
	v54 =	vmul.f32 v12, v12;
	v6 =	vmul.f32 v6, v6  }
0x60: {  	v49 =	vld.idx.msk [tilespmem:v38+s12+$0x0], $0xffff;
	v14 =	vsub.f32 v55, v56;
	v59 =	vmul.f32 v15, v15;
	v10 =	vmul.f32 v10, v10  }
0x61: {  	v57 =	vld.idx.msk [tilespmem:v48+s11+$0x0], $0xffff;
	v13 =	vsub.f32 v60, v61;
	v8 =	vmul.f32 v8, v8;
	v7 =	vmul.f32 v7, v7  }
0x62: {  	v51 =	vld.idx.msk [tilespmem:v43+s9+$0x0], $0xffff;
	v5 =	vadd.f32 v9, v5;
	v9 =	vsub.f32 v18, v53;
	v53 =	vor.u32 $0x10, v2  }
0x63: {  	v52 =	vld.idx.msk [tilespmem:v43+s11+$0x0], $0xffff;
	v25 =	vmul.f32 v11, v11;
	v12 =	vsub.f32 v26, v27;
	v15 =	vsub.f32 v31, v32  }
0x64: {  	v56 =	vld.idx.msk [tilespmem:v48+s9+$0x0], $0xffff;
	v30 =	vmul.f32 v14, v14;
	v3 =	vadd.f32 v3, v4;
	v4 =	vadd.f32 v54, v5  }
0x65: {  	v11 =	vsub.f32 v41, v42;
	v5 =	vsub.f32 v55, v58;
	v54 =	vld.idx.msk [tilespmem:v43+s12+$0x0], $0xffff;
	v58 =	vor.u32 $0x11, v2  }
0x66: {  	v35 =	vmul.f32 v13, v13;
	v3 =	vadd.f32 v6, v3;
	v4 =	vadd.f32 v59, v4;
	v59 =	vld.idx.msk [tilespmem:v48+s12+$0x0], $0xffff  }
0x67: {  	v14 =	vsub.f32 v46, v47;
	v18 =	vsub.f32 v21, v22;
	v45 =	vmul.f32 v12, v12;
	v61 =	vld.idx.msk [tilespmem:v53+s9+$0x0], $0xffff  }
0x68: {  	v6 =	vsub.f32 v60, v63;
	v63 =	vor.u32 $0x12, v2;
	v3 =	vadd.f32 v10, v3;
	v62 =	vld.idx.msk [tilespmem:v53+s11+$0x0], $0xffff  }
0x69: {  	v50 =	vmul.f32 v15, v15;
	v4 =	vadd.f32 v8, v4;
	v8 =	vsub.f32 v21, v24;
	v21 =	vld.idx.msk [tilespmem:v53+s12+$0x0], $0xffff  }
0x6a: {  	v22 =	vmul.f32 v14, v14;
	v9 =	vmul.f32 v9, v9;
	v3 =	vadd.f32 v7, v3;
	v23 =	vld.idx.msk [tilespmem:v58+s9+$0x0], $0xffff  }
0x6b: {  	v13 =	vsub.f32 v51, v52;
	v24 =	vld.idx.msk [tilespmem:v58+s11+$0x0], $0xffff;
	v4 =	vadd.f32 v25, v4;
	v25 =	vor.u32 $0x13, v2  }
0x6c: {  	v5 =	vmul.f32 v5, v5;
	v7 =	vsub.f32 v26, v29;
	v26 =	vld.idx.msk [tilespmem:v58+s12+$0x0], $0xffff;
	v3 =	vadd.f32 v9, v3  }
0x6d: {  	v16 =	vsub.f32 v56, v57;
	v40 =	vmul.f32 v18, v18;
	v6 =	vmul.f32 v6, v6;
	v28 =	vld.idx.msk [tilespmem:v63+s9+$0x0], $0xffff  }
0x6e: {  	v29 =	vld.idx.msk [tilespmem:v63+s11+$0x0], $0xffff;
	v4 =	vadd.f32 v30, v4;
	v3 =	vadd.f32 v5, v3;
	v30 =	vor.u32 $0x14, v2  }
0x6f: {  	v60 =	vmul.f32 v11, v11;
	v27 =	vmul.f32 v13, v13;
	v9 =	vsub.f32 v31, v34;
	v31 =	vld.idx.msk [tilespmem:v63+s12+$0x0], $0xffff  }
0x70: {  	v8 =	vmul.f32 v8, v8;
	v4 =	vadd.f32 v35, v4;
	v3 =	vadd.f32 v6, v3;
	v33 =	vld.idx.msk [tilespmem:v25+s9+$0x0], $0xffff  }
0x71: {  	v10 =	vsub.f32 v36, v37;
	v5 =	vsub.f32 v36, v39;
	v35 =	vor.u32 $0x15, v2;
	v34 =	vld.idx.msk [tilespmem:v25+s11+$0x0], $0xffff  }
0x72: {  	v7 =	vmul.f32 v7, v7;
	v36 =	vld.idx.msk [tilespmem:v25+s12+$0x0], $0xffff;
	v4 =	vadd.f32 v40, v4;
	v3 =	vadd.f32 v8, v3  }
0x73: {  	v32 =	vmul.f32 v16, v16;
	v9 =	vmul.f32 v9, v9;
	v12 =	vsub.f32 v61, v62;
	v38 =	vld.idx.msk [tilespmem:v30+s9+$0x0], $0xffff  }
0x74: {  	v40 =	vor.u32 $0x16, v2;
	v39 =	vld.idx.msk [tilespmem:v30+s11+$0x0], $0xffff;
	v4 =	vadd.f32 v45, v4;
	v3 =	vadd.f32 v7, v3  }
0x75: {  	v55 =	vmul.f32 v10, v10;
	v5 =	vmul.f32 v5, v5;
	v6 =	vsub.f32 v41, v44;
	v41 =	vld.idx.msk [tilespmem:v30+s12+$0x0], $0xffff  }
0x76: {  	v37 =	vmul.f32 v12, v12;
	v43 =	vld.idx.msk [tilespmem:v35+s9+$0x0], $0xffff;
	v4 =	vadd.f32 v50, v4;
	v3 =	vadd.f32 v9, v3  }
0x77: {  	v15 =	vsub.f32 v23, v24;
	v8 =	vsub.f32 v46, v49;
	v45 =	vor.u32 $0x17, v2;
	v44 =	vld.idx.msk [tilespmem:v35+s11+$0x0], $0xffff  }
0x78: {  	v6 =	vmul.f32 v6, v6;
	v46 =	vld.idx.msk [tilespmem:v35+s12+$0x0], $0xffff;
	v4 =	vadd.f32 v55, v4;
	v3 =	vadd.f32 v5, v3  }
0x79: {  	v10 =	vsub.f32 v28, v29;
	v8 =	vmul.f32 v8, v8;
	v7 =	vsub.f32 v51, v54;
	v48 =	vld.idx.msk [tilespmem:v40+s9+$0x0], $0xffff  }
0x7a: {  	v50 =	vor.u32 $0x18, v2;
	v49 =	vld.idx.msk [tilespmem:v40+s11+$0x0], $0xffff;
	v4 =	vadd.f32 v60, v4;
	v3 =	vadd.f32 v6, v3  }
0x7b: {  	v42 =	vmul.f32 v15, v15;
	v47 =	vmul.f32 v10, v10;
	v9 =	vsub.f32 v56, v59;
	v51 =	vld.idx.msk [tilespmem:v40+s12+$0x0], $0xffff  }
0x7c: {  	v7 =	vmul.f32 v7, v7;
	v53 =	vld.idx.msk [tilespmem:v45+s9+$0x0], $0xffff;
	v4 =	vadd.f32 v22, v4;
	v3 =	vadd.f32 v8, v3  }
0x7d: {  	v11 =	vsub.f32 v33, v34;
	v5 =	vsub.f32 v61, v21;
	v55 =	vor.u32 $0x19, v2;
	v54 =	vld.idx.msk [tilespmem:v45+s11+$0x0], $0xffff  }
0x7e: {  	v9 =	vmul.f32 v9, v9;
	v56 =	vld.idx.msk [tilespmem:v45+s12+$0x0], $0xffff;
	v4 =	vadd.f32 v27, v4;
	v3 =	vadd.f32 v7, v3  }
0x7f: {  	v14 =	vsub.f32 v38, v39;
	v5 =	vmul.f32 v5, v5;
	v6 =	vsub.f32 v23, v26;
	v58 =	vld.idx.msk [tilespmem:v50+s9+$0x0], $0xffff  }
0x80: {  	v60 =	vor.u32 $0x1A, v2;
	v59 =	vld.idx.msk [tilespmem:v50+s11+$0x0], $0xffff;
	v4 =	vadd.f32 v32, v4;
	v3 =	vadd.f32 v9, v3  }
0x81: {  	v52 =	vmul.f32 v11, v11;
	v57 =	vmul.f32 v14, v14;
	v61 =	vld.idx.msk [tilespmem:v50+s12+$0x0], $0xffff;
	v8 =	vsub.f32 v28, v31  }
0x82: {  	v6 =	vmul.f32 v6, v6;
	v63 =	vld.idx.msk [tilespmem:v55+s9+$0x0], $0xffff;
	v4 =	vadd.f32 v37, v4;
	v3 =	vadd.f32 v5, v3  }
0x83: {  	v13 =	vsub.f32 v43, v44;
	v22 =	vor.u32 $0x1B, v2;
	v21 =	vld.idx.msk [tilespmem:v55+s11+$0x0], $0xffff;
	v7 =	vsub.f32 v33, v36  }
0x84: {  	v23 =	vld.idx.msk [tilespmem:v55+s12+$0x0], $0xffff;
	v8 =	vmul.f32 v8, v8;
	v4 =	vadd.f32 v42, v4;
	v3 =	vadd.f32 v6, v3  }
0x85: {  	v16 =	vsub.f32 v48, v49;
	v27 =	vor.u32 $0x1C, v2;
	v25 =	vld.idx.msk [tilespmem:v60+s9+$0x0], $0xffff;
	v9 =	vsub.f32 v38, v41  }
0x86: {  	v26 =	vld.idx.msk [tilespmem:v60+s11+$0x0], $0xffff;
	v7 =	vmul.f32 v7, v7;
	v4 =	vadd.f32 v47, v4;
	v3 =	vadd.f32 v8, v3  }
0x87: {  	v62 =	vmul.f32 v13, v13;
	v24 =	vmul.f32 v16, v16;
	v28 =	vld.idx.msk [tilespmem:v60+s12+$0x0], $0xffff;
	v5 =	vsub.f32 v43, v46  }
0x88: {  	v31 =	vld.idx.msk [tilespmem:v22+s9+$0x0], $0xffff;
	v9 =	vmul.f32 v9, v9;
	v4 =	vadd.f32 v52, v4;
	v3 =	vadd.f32 v7, v3  }
0x89: {  	v12 =	vsub.f32 v53, v54;
	v33 =	vor.u32 $0x1D, v2;
	v32 =	vld.idx.msk [tilespmem:v22+s11+$0x0], $0xffff;
	v6 =	vsub.f32 v48, v51  }
0x8a: {  	v35 =	vld.idx.msk [tilespmem:v22+s12+$0x0], $0xffff;
	v5 =	vmul.f32 v5, v5;
	v4 =	vadd.f32 v57, v4;
	v3 =	vadd.f32 v9, v3  }
0x8b: {  	v29 =	vmul.f32 v12, v12;
	v38 =	vor.u32 $0x1E, v2;
	v36 =	vld.idx.msk [tilespmem:v27+s9+$0x0], $0xffff;
	v8 =	vsub.f32 v53, v56  }
0x8c: {  	v37 =	vld.idx.msk [tilespmem:v27+s11+$0x0], $0xffff;
	v6 =	vmul.f32 v6, v6;
	v4 =	vadd.f32 v62, v4;
	v3 =	vadd.f32 v5, v3  }
0x8d: {  	v30 =	vsub.f32 v58, v59;
	v2 =	vor.u32 $0x1F, v2;
	v40 =	vld.idx.msk [tilespmem:v27+s12+$0x0], $0xffff;
	v7 =	vsub.f32 v58, v61  }
0x8e: {  	v41 =	vld.idx.msk [tilespmem:v33+s9+$0x0], $0xffff;
	v8 =	vmul.f32 v8, v8;
	v4 =	vadd.f32 v24, v4;
	v3 =	vadd.f32 v6, v3  }
0x8f: {  	v34 =	vmul.f32 v30, v30;
	v10 =	vsub.f32 v63, v21;
	v45 =	vld.idx.msk [tilespmem:v33+s12+$0x0], $0xffff;
	v9 =	vsub.f32 v63, v23  }
0x90: {  	v42 =	vld.idx.msk [tilespmem:v33+s11+$0x0], $0xffff;
	v7 =	vmul.f32 v7, v7;
	v4 =	vadd.f32 v29, v4;
	v3 =	vadd.f32 v8, v3  }
0x91: {  	v39 =	vmul.f32 v10, v10;
	v11 =	vsub.f32 v25, v26;
	v46 =	vld.idx.msk [tilespmem:v38+s9+$0x0], $0xffff;
	v5 =	vsub.f32 v25, v28  }
0x92: {  	v48 =	vld.idx.msk [tilespmem:v38+s11+$0x0], $0xffff;
	v9 =	vmul.f32 v9, v9;
	v4 =	vadd.f32 v34, v4;
	v3 =	vadd.f32 v7, v3  }
0x93: {  	v49 =	vld.idx.msk [tilespmem:v38+s12+$0x0], $0xffff;
	v43 =	vmul.f32 v11, v11;
	v44 =	vsub.f32 v31, v32;
	v8 =	vsub.f32 v31, v35  }
0x94: {  	v50 =	vld.idx.msk [tilespmem:v2+s9+$0x0], $0xffff;
	v5 =	vmul.f32 v5, v5;
	v4 =	vadd.f32 v39, v4;
	v3 =	vadd.f32 v9, v3  }
0x95: {  	v47 =	vmul.f32 v44, v44;
	v10 =	vsub.f32 v36, v40;
	v52 =	vld.idx.msk [tilespmem:v2+s11+$0x0], $0xffff;
	v6 =	vsub.f32 v36, v37  }
0x96: {  	v2 =	vld.idx.msk [tilespmem:v2+s12+$0x0], $0xffff;
	v8 =	vmul.f32 v8, v8;
	v4 =	vadd.f32 v43, v4;
	v3 =	vadd.f32 v5, v3  }
0x97: {  	v53 =	vsub.f32 v41, v45;
	v51 =	vmul.f32 v10, v10;
	v7 =	vsub.f32 v41, v42  }
0x98: {  	v6 =	vmul.f32 v6, v6;
	v4 =	vadd.f32 v47, v4;
	v3 =	vadd.f32 v8, v3  }
0x99: {  	v55 =	vmul.f32 v53, v53;
	v56 =	vsub.f32 v46, v48;
	v57 =	vsub.f32 v46, v49  }
0x9a: {  	v54 =	vmul.f32 v7, v7;
	v4 =	vadd.f32 v6, v4;
	v3 =	vadd.f32 v51, v3  }
0x9b: {  	v58 =	vmul.f32 v56, v56;
	v60 =	vsub.f32 v50, v52;
	v2 =	vsub.f32 v50, v2  }
0x9c: {  	v61 =	vld [tilespmem:s19+$0x0];
	v59 =	vmul.f32 v57, v57;
	v4 =	vadd.f32 v54, v4;
	v3 =	vadd.f32 v55, v3  }
0x9d: {  	v62 =	vld [tilespmem:s18+$0x0];
	v63 =	vmul.f32 v60, v60  }
0x9e: {  	v2 =	vmul.f32 v2, v2;
	v4 =	vadd.f32 v58, v4;
	v3 =	vadd.f32 v59, v3;
	_ =	sdelay $0x1  }
0x9f: {  	v4 =	vadd.f32 v63, v4;
	v2 =	vadd.f32 v2, v3;
	_ =	sdelay $0x1  }
0xa0: {  	vm1 =	vlt.s32 v62, v61;
	vm0 =	veq.f32 v2, v4  }
0xa1: {  	vm2 =	vlt.f32 v2, v4;
	vm0 =	vmand vm1, vm0  }
0xa2: {  	vm0 =	vmor vm2, vm0  }
0xa3: {  	v3 =	vsel vm0, v62, v61  }
0xa4: {  	[tilespmem:s19+$0x0] =	vst v3  }
0xa5: {  	v3 =	vld [tilespmem:$0x4180];
	_ =	sdelay $0x1  }
0xa6: {  	p0 =	sne.s32 s20, $0x70  }
.Ltmp0:
0xa7: {  	_ = 	snop;
	(pc) =	sbr.rel @p0 .LBB2_2-.Ltmp0, $3  }
0xa8: {  	v2 =	vsel vm0, v2, v4  }
0xa9: {  	v2 =	vadd.f32 v2, v3;
	_ =	sdelay $0x1  }
0xaa: {  	s20 =	sadd.s32 $0x10, s20;
	s18 =	sadd.s32 $0x10, s18;
	s19 =	sadd.s32 $0x10, s19;
	[tilespmem:$0x4180] =	vst v2  }
0xab: {  	[tilespmem:s14], [sflag:$0x1] =	stream.indirect.gather [hbm4b:s3+s13], $0x20, s13, s13, $0xb8;
	[tilespmem:$0x4190] =	vst v63  }
0xac: {  	_ =	swait.ge [sflag:s10], $0x1000  }
0xad: {  	[sflag:s10] =	ssyncset.done $0x0  }
0xae: {  	[sflag:s10] =	ssyncadd.s32 $0xFFFFF000  }
0xaf: {  	[hbm4b:s6+s2] =	stream.linear.scatter [tilespmem:s14], [sflag:$0x2], $0x1000, $0x38;
	[tilespmem:$0x4190] =	vst v63  }
0xb0: {  	_ =	swait.ge [sflag:s15], $0x1000  }
0xb1: {  	[sflag:s15] =	ssyncset.done $0x0  }
0xb2: {  	[sflag:s15] =	ssyncadd.s32 $0xFFFFF000  }
0xb3: {  	v2 =	vld [tilespmem:$0x4180];
	_ =	sdelay $0x4  }
0xb4: {  	(xrf2) =	vadd.scan.msk.f32 $0xffff, v2;
	_ =	sdelay $0x9  }
0xb5: {  	v2, _, _ =	vpop (xrf2)  }
0xb6: {  	v2 =	vbroadcast v2, $0xF  }
0xb7: {  	vm0 =	vmmov $0x1;
	s17 =	sadd.s32 $0x1, s17  }
0xb8: {  	p0 =	sne.s32 s17, s8;
	v2 =	vnsel vm0, $0x0, v2  }
.Ltmp1:
0xb9: {  	[tilespmem:$0x4180] =	vst v2;
	(pc) =	sbr.rel @p0 .LBB2_1-.Ltmp1, $4  }
0xba: {  	[hbm4b:s7+s2] =	stream.linear.scatter [tilespmem:s16], [sflag:$0x2], $0x10, $0x38;
	[tilespmem:$0x4190] =	vst v63  }
0xbb: {  	_ =	swait.ge [sflag:s15], $0x10  }
0xbc: {  	[sflag:s15] =	ssyncset.done $0x0  }
0xbd: {  	[sflag:s15] =	ssyncadd.s32 $0xFFFFFFF0  }
0xbe: {  	_ =	sfence.sel $0x180000  }
0xbf: {  	[bflag:$0x0] =	sbarrier.arrive $0xFFFF  }
0xc0: {  	p0 =	sne.s32 s0, $0x0;
	_ =	strace $0x90000047  }
0xc1: {  	s0 =	sadd.s32 @!p0 $0x100000, s1;
	[bflag:$0x2] =	sbarrier.arrive $0xFFFF  }
0xc2: {  	[sflag:s0] =	ssyncadd.tile.s32 @!p0 $0x1;
	_ =	shalt  }
.Lfunc_end2:
_tile_overlayer_lowered:
.L_overlay_start_2:
0xc3: {  	(tag) =	ssettag $0x2  }
0xc4: {  	s0 =	rddreg [dreg:$0x0];
	s2 =	stileid.u32  }
0xc5: {  	s1 =	rddreg [dreg:$0x1];
	p0 =	sne.s32 s2, $0x0  }
0xc6: {  	s3 =	rddreg [dreg:$0x2];
	[bflag:$0x3] =	sbarrier.arrive $0xFFFF;
	s2 =	simm.s32 @!p0 $0x1C02  }
0xc7: {  	[timem:s3], [sflag:s2] =	dma.local @!p0 [hbm:s0], s1  }
0xc8: {  	s0 =	simm.s32 @!p0 $0x2  }
0xc9: {  	_ =	swait.ge @!p0 [sflag:s0], s1  }
0xca: {  	s1 =	ssub.s32 @!p0 $0x0, s1;
	[sflag:s0] =	ssyncset.done @!p0 $0x0  }
0xcb: {  	[sflag:s0] =	ssyncadd.s32 @!p0 s1  }
0xcc: {  	[bflag:$0x3] =	sbarrier.arrive $0xFFFF  }
0xcd: {  	_ =	shalt  }

</sc_bundles>
